<compile_context>
chip_gen: v7x
topology: tpu7x:2x2x1
jax: 0.10.2.dev20260603
libtpu: 0.0.44.dev20260713+nightly
codegen_flags: <defaults>
</compile_context>

<pallas_src>
import functools

import jax
import jax.numpy as jnp
from jax import lax
from jax.experimental import pallas as pl
from jax.experimental.pallas import tpu as pltpu
from jax.experimental.pallas import tpu_sc as plsc

_GCHUNK = 128
_SCHUNK = 64
_NSUB = 16
_NTILE = 32


def _sc_gather_segsum(f2, src2, dstg, z_acc, n_pad, half, chg, e_pad):
  rows_per_tile = n_pad // _NSUB
  mesh = plsc.VectorSubcoreMesh(core_axis_name="c", subcore_axis_name="s")

  @functools.partial(
      pl.kernel,
      mesh=mesh,
      out_type=jax.ShapeDtypeStruct((2, n_pad, half), jnp.float32),
      scratch_types=[
          pltpu.VMEM_SHARED((n_pad, half), jnp.float32),
          pltpu.VMEM((_SCHUNK,), jnp.int32),
          pltpu.VMEM((_SCHUNK,), jnp.int32),
          pltpu.VMEM((_SCHUNK,), jnp.int32),
          pltpu.VMEM((_SCHUNK,), jnp.int32),
          pltpu.VMEM((_SCHUNK,), jnp.int32),
          pltpu.VMEM((_SCHUNK,), jnp.int32),
          pltpu.VMEM((_SCHUNK,), jnp.int32),
          pltpu.VMEM((_SCHUNK,), jnp.int32),
          pltpu.VMEM((_SCHUNK,), jnp.int32),
          pltpu.VMEM((_SCHUNK,), jnp.int32),
          pltpu.VMEM((_SCHUNK, half), jnp.float32),
          pltpu.VMEM((_SCHUNK, half), jnp.float32),
          pltpu.VMEM((_SCHUNK, half), jnp.float32),
          pltpu.VMEM((_SCHUNK, half), jnp.float32),
          pltpu.VMEM((_SCHUNK, half), jnp.float32),
          pltpu.SemaphoreType.DMA,
          pltpu.SemaphoreType.DMA,
          pltpu.SemaphoreType.DMA,
          pltpu.SemaphoreType.DMA,
          pltpu.SemaphoreType.DMA,
          pltpu.SemaphoreType.DMA,
          pltpu.SemaphoreType.DMA,
          pltpu.SemaphoreType.DMA,
          pltpu.SemaphoreType.DMA,
          pltpu.SemaphoreType.DMA,
      ],
  )
  def k(f2_h, src2_h, dstg_h, zacc_h, g2_h, acc_sh,
        src0, src1, src2_, src3, src4, dst0, dst1, dst2, dst3, dst4,
        rows0, rows1, rows2, rows3, rows4,
        semi0, semi1, semi2, semi3, semi4,
        semg0, semg1, semg2, semg3, semg4):
    cid = lax.axis_index("c")
    sid = lax.axis_index("s")
    r0 = sid * rows_per_tile

    pltpu.sync_copy(zacc_h.at[pl.ds(r0, rows_per_tile)],
                    acc_sh.at[pl.ds(r0, rows_per_tile)])
    plsc.subcore_barrier()

    dbase = sid * (chg * _SCHUNK)
    sbase = cid * e_pad + dbase
    sets = ((src0, dst0, rows0, semi0, semg0),
            (src1, dst1, rows1, semi1, semg1),
            (src2_, dst2, rows2, semi2, semg2),
            (src3, dst3, rows3, semi3, semg3),
            (src4, dst4, rows4, semi4, semg4))

    def start_idx(j, src, dst, rows, semi, semg):
      del rows, semg
      pltpu.make_async_copy(src2_h.at[pl.ds(sbase + j * _SCHUNK, _SCHUNK)],
                            src, semi).start()
      pltpu.make_async_copy(dstg_h.at[pl.ds(dbase + j * _SCHUNK, _SCHUNK)],
                            dst, semi).start()

    def start_gather(j, src, dst, rows, semi, semg):
      pltpu.make_async_copy(src2_h.at[pl.ds(sbase + j * _SCHUNK, _SCHUNK)],
                            src, semi).wait()
      pltpu.make_async_copy(dstg_h.at[pl.ds(dbase + j * _SCHUNK, _SCHUNK)],
                            dst, semi).wait()
      pltpu.make_async_copy(f2_h.at[src], rows, semg).start()

    def finish_chunk(j, src, dst, rows, semi, semg):
      del semi
      pltpu.make_async_copy(f2_h.at[src], rows, semg).wait()
      pltpu.sync_copy(rows, acc_sh.at[dst], add=True)

    for p in range(4):
      start_idx(p, *sets[p])
    for p in range(3):
      start_gather(p, *sets[p])

    def g_body5(t, carry):
      j0 = 5 * t
      for s in range(5):
        j = j0 + s
        @pl.when(j + 4 < chg)
        def _(j=j, s=s):
          start_idx(j + 4, *sets[(s + 4) % 5])

        @pl.when(j + 3 < chg)
        def _(j=j, s=s):
          start_gather(j + 3, *sets[(s + 3) % 5])

        finish_chunk(j, *sets[s])
      return carry

    lax.fori_loop(0, chg // 5, g_body5, 0)
    plsc.subcore_barrier()

    pltpu.sync_copy(acc_sh.at[pl.ds(r0, rows_per_tile)],
                    g2_h.at[cid, pl.ds(r0, rows_per_tile)])

  return k(f2, src2, dstg, z_acc)


def _sc_edge_segsum(ef2, dstg, z_fe, n_pad, chf, e_pad):
  rows_per_tile = n_pad // _NSUB
  mesh = plsc.VectorSubcoreMesh(core_axis_name="c", subcore_axis_name="s")

  @functools.partial(
      pl.kernel,
      mesh=mesh,
      out_type=jax.ShapeDtypeStruct((2, n_pad, 128), jnp.float32),
      scratch_types=[
          pltpu.VMEM_SHARED((n_pad, 128), jnp.float32),
          pltpu.VMEM((_GCHUNK,), jnp.int32),
          pltpu.VMEM((_GCHUNK,), jnp.int32),
          pltpu.VMEM((_GCHUNK, 128), jnp.float32),
          pltpu.VMEM((_GCHUNK, 128), jnp.float32),
          pltpu.SemaphoreType.DMA,
          pltpu.SemaphoreType.DMA,
          pltpu.SemaphoreType.DMA,
          pltpu.SemaphoreType.DMA,
      ],
  )
  def k(ef2_h, dstg_h, zfe_h, fe2_h, fe_sh, dst0, dst1, ef0, ef1,
        sem0, sem1, semd0, semd1):
    cid = lax.axis_index("c")
    sid = lax.axis_index("s")
    r0 = sid * rows_per_tile

    pltpu.sync_copy(zfe_h.at[pl.ds(r0, rows_per_tile)],
                    fe_sh.at[pl.ds(r0, rows_per_tile)])
    plsc.subcore_barrier()

    fbase = (cid * _NSUB + sid) * (chf * _GCHUNK)

    def start_chunk(j, ef, dst, semr, semd):
      off = fbase + j * _GCHUNK
      pltpu.make_async_copy(ef2_h.at[pl.ds(off, _GCHUNK)], ef, semr).start()
      pltpu.make_async_copy(dstg_h.at[pl.ds(off, _GCHUNK)], dst, semd).start()

    def finish_chunk(j, ef, dst, semr, semd):
      off = fbase + j * _GCHUNK
      pltpu.make_async_copy(ef2_h.at[pl.ds(off, _GCHUNK)], ef, semr).wait()
      pltpu.make_async_copy(dstg_h.at[pl.ds(off, _GCHUNK)], dst, semd).wait()
      pltpu.sync_copy(ef, fe_sh.at[dst], add=True)

    start_chunk(0, ef0, dst0, sem0, semd0)

    def f_body2(t, carry):
      j0 = 2 * t
      j1 = j0 + 1
      start_chunk(j1, ef1, dst1, sem1, semd1)
      finish_chunk(j0, ef0, dst0, sem0, semd0)

      @pl.when(j1 + 1 < chf)
      def _():
        start_chunk(j1 + 1, ef0, dst0, sem0, semd0)

      finish_chunk(j1, ef1, dst1, sem1, semd1)
      return carry

    lax.fori_loop(0, chf // 2, f_body2, 0)
    plsc.subcore_barrier()

    pltpu.sync_copy(fe_sh.at[pl.ds(r0, rows_per_tile)],
                    fe2_h.at[cid, pl.ds(r0, rows_per_tile)])

  return k(ef2, dstg, z_fe)


def _tc_epilogue(features, gl, gr, fea, feb, W_neigh, W_edge, W_lin,
                 b_neigh, b_edge, b_lin, n, d, half, de):
  bm = 1000
  grid = (n // bm,)

  def body(f_ref, gl_ref, gr_ref, fea_ref, feb_ref, wn_ref, we_ref, wl_ref,
           bn_ref, be_ref, bl_ref, out_ref):
    dot = lambda a, b: lax.dot_general(
        a, b, (((1,), (1,)), ((), ())), preferred_element_type=jnp.float32)
    f = f_ref[...]
    fe = fea_ref[...] + feb_ref[...]
    counts = fe[:, de:de + 1]
    hsum = dot(gl_ref[...], wn_ref[:, :half]) + dot(gr_ref[...], wn_ref[:, half:])
    sums = hsum + dot(fe[:, :de], we_ref[...])
    sums = sums + counts * (bn_ref[...] + be_ref[...]) + f
    s = sums / jnp.maximum(counts, 1.0)
    out_ref[...] = dot(f, wl_ref[:, :d]) + dot(s, wl_ref[:, d:]) + bl_ref[...]

  de2 = fea.shape[1]
  return pl.pallas_call(
      body,
      grid=grid,
      in_specs=[
          pl.BlockSpec((bm, d), lambda i: (i, 0)),
          pl.BlockSpec((bm, half), lambda i: (i, 0)),
          pl.BlockSpec((bm, half), lambda i: (i, 0)),
          pl.BlockSpec((bm, de2), lambda i: (i, 0)),
          pl.BlockSpec((bm, de2), lambda i: (i, 0)),
          pl.BlockSpec((d, d), lambda i: (0, 0)),
          pl.BlockSpec((d, de), lambda i: (0, 0)),
          pl.BlockSpec((d, 2 * d), lambda i: (0, 0)),
          pl.BlockSpec((1, d), lambda i: (0, 0)),
          pl.BlockSpec((1, d), lambda i: (0, 0)),
          pl.BlockSpec((1, d), lambda i: (0, 0)),
      ],
      out_specs=pl.BlockSpec((bm, d), lambda i: (i, 0)),
      out_shape=jax.ShapeDtypeStruct((n, d), jnp.float32),
  )(features, gl, gr, fea, feb, W_neigh, W_edge, W_lin,
    b_neigh.reshape(1, d), b_edge.reshape(1, d), b_lin.reshape(1, d))


def kernel(features, edge_index, edge_features, W_neigh, b_neigh, W_edge,
           b_edge, W_lin, b_lin):
  n, d = features.shape
  e = edge_index.shape[1]
  de = edge_features.shape[1]
  half = d // 2

  align = _NTILE * _GCHUNK * 5
  e_pad = (e + align - 1) // align * align
  chg = e_pad // (_NSUB * _SCHUNK)
  chf = e_pad // (_NTILE * _GCHUNK)
  n_pad = ((n + 1 + 127) // 128) * 128

  pad = e_pad - e
  src = jnp.concatenate([edge_index[1], jnp.zeros((pad,), jnp.int32)])
  dst = jnp.concatenate([edge_index[0], jnp.full((pad,), n, jnp.int32)])
  src2 = jnp.concatenate([src, src + n])
  f2 = jnp.concatenate([features[:, :half], features[:, half:]], axis=0)
  ef2 = jnp.concatenate([
      edge_features,
      jnp.ones((e, 1), jnp.float32),
      jnp.zeros((e, 128 - de - 1), jnp.float32),
  ], axis=1)
  ef2 = jnp.pad(ef2, ((0, pad), (0, 0)))
  z_acc = jnp.zeros((n_pad, half), jnp.float32)
  z_fe = jnp.zeros((n_pad, 128), jnp.float32)

  g2 = _sc_gather_segsum(f2, src2, dst, z_acc, n_pad, half, chg, e_pad)
  fe2 = _sc_edge_segsum(ef2, dst, z_fe, n_pad, chf, e_pad)

  return _tc_epilogue(features, g2[0, :n], g2[1, :n], fe2[0, :n], fe2[1, :n],
                      W_neigh, W_edge, W_lin, b_neigh, b_edge, b_lin,
                      n, d, half, de)

# --- scband reference (transcript-rebuilt; emitter-appended) ---
"""Pipeline reference for scband-sage-conv-scatter-86285892976706 (READ-ONLY COPY).

The authoritative reference and input builder live on the scoring server;
editing this copy changes nothing except your own understanding.
"""

import jax, jax.numpy as jnp
import numpy as np

N = 10000
E = 160000
D = 256
DE = 16


def _xavier_uniform(key, shape, gain):
    fan_out, fan_in = shape
    a = gain * np.sqrt(6.0 / (fan_in + fan_out))
    return jax.random.uniform(key, shape, minval=-a, maxval=a, dtype=jnp.float32)


def setup_inputs(seed: int = 0) -> dict:
    key = jax.random.key(seed)
    ks = jax.random.split(key, 8)
    gain = float(np.sqrt(2.0))  # calculate_gain('relu')
    features = jax.random.normal(ks[0], (N, D), dtype=jnp.float32)
    edge_index = jax.random.randint(ks[1], (2, E), 0, N, dtype=jnp.int32)
    edge_features = jax.random.normal(ks[2], (E, DE), dtype=jnp.float32)
    W_neigh = _xavier_uniform(ks[3], (D, D), gain)
    b_neigh = jnp.zeros((D,), dtype=jnp.float32)
    W_edge = _xavier_uniform(ks[4], (D, DE), gain)
    b_edge = jnp.zeros((D,), dtype=jnp.float32)
    W_lin = _xavier_uniform(ks[5], (D, 2 * D), gain)
    b_lin = jnp.zeros((D,), dtype=jnp.float32)
    return {
        'features': features,
        'edge_index': edge_index,
        'edge_features': edge_features,
        'W_neigh': W_neigh,
        'b_neigh': b_neigh,
        'W_edge': W_edge,
        'b_edge': b_edge,
        'W_lin': W_lin,
        'b_lin': b_lin,
    }


def reference(features, edge_index, edge_features, W_neigh, b_neigh, W_edge, b_edge, W_lin, b_lin):
    n = features.shape[0]
    # neigh_linear
    h = features @ W_neigh.T + b_neigh
    # gather source-node features per edge
    he = h[edge_index[1]]
    # edge feature projection added to gathered messages
    ef = edge_features @ W_edge.T + b_edge
    he = he + ef
    dst = edge_index[0]
    # torch_scatter scatter(..., out=features.clone(), reduce='mean'):
    # sum includes the initial `out` values; divide by per-index edge count clamped to 1
    sums = jax.ops.segment_sum(he, dst, num_segments=n) + features
    counts = jax.ops.segment_sum(jnp.ones((he.shape[0],), dtype=jnp.float32), dst, num_segments=n)
    s = sums / jnp.clip(counts, 1.0, None)[:, None]
    z = jnp.concatenate([features, s], axis=-1) @ W_lin.T + b_lin
    return z

if __name__ == "__main__":
    import jax
    _d = setup_inputs()
    print(jax.jit(kernel)(*tuple(_d.values())))

</pallas_src>

<mosaic_0001>
#map = affine_map<(d0, d1) -> (0, 0)>
#map1 = affine_map<(d0, d1) -> (0)>
#map2 = affine_map<(d0, d1) -> (0, 0, 0)>
module attributes {stable_mosaic.version = 14 : i64} {
  func.func @k(%arg0: i32, %arg1: i32, %arg2: memref<163840x128xf32, #tpu.memory_space<hbm>>, %arg3: memref<163840xi32, #tpu.memory_space<hbm>>, %arg4: memref<10112x128xf32, #tpu.memory_space<hbm>>, %arg5: memref<2x10112x128xf32, #tpu.memory_space<hbm>>, %arg6: memref<10112x128xf32, #tpu.memory_space<vmem_shared>>, %arg7: memref<128xi32, #tpu.memory_space<vmem>>, %arg8: memref<128xi32, #tpu.memory_space<vmem>>, %arg9: memref<128x128xf32, #tpu.memory_space<vmem>>, %arg10: memref<128x128xf32, #tpu.memory_space<vmem>>, %arg11: memref<!tpu.dma_semaphore, #tpu.memory_space<semaphore_mem>>, %arg12: memref<!tpu.dma_semaphore, #tpu.memory_space<semaphore_mem>>, %arg13: memref<!tpu.dma_semaphore, #tpu.memory_space<semaphore_mem>>, %arg14: memref<!tpu.dma_semaphore, #tpu.memory_space<semaphore_mem>>) attributes {dimension_semantics = [#tpu.dimension_semantics<core_parallel>, #tpu.dimension_semantics<subcore_parallel>], iteration_bounds = array<i64: 2, 16>, scalar_prefetch = 0 : i64, scratch_operands = 9 : i64, tpu.core_type = #tpu.core_type<sc_vector_subcore>, window_params = [{transform_indices = #map}, {transform_indices = #map1}, {transform_indices = #map}, {transform_indices = #map2}]} {
    %mul3A = arith.constant 632 : i32
    %mul3A_0 = arith.muli %arg1, %mul3A : i32
    "tpu.region"() ({
      %run_scoped3A = tpu.sem_alloc : memref<!tpu.dma_semaphore, #tpu.memory_space<semaphore_mem>>
      %dma_start3A_18 = arith.constant 0 : i32
      %dma_start3A_19 = tpu.memref_slice %arg6[%mul3A_0, %dma_start3A_18] : memref<10112x128xf32, #tpu.memory_space<vmem_shared>> -> memref<632x128xf32, #tpu.memory_space<vmem_shared>>
      %dma_start3A_20 = arith.constant 0 : i32
      %dma_start3A_21 = tpu.memref_slice %arg4[%mul3A_0, %dma_start3A_20] : memref<10112x128xf32, #tpu.memory_space<hbm>> -> memref<632x128xf32, #tpu.memory_space<hbm>>
      tpu.enqueue_dma source(%dma_start3A_21 : memref<632x128xf32, #tpu.memory_space<hbm>>) target(%dma_start3A_19 : memref<632x128xf32, #tpu.memory_space<vmem_shared>>) target_semaphore(%run_scoped3A : memref<!tpu.dma_semaphore, #tpu.memory_space<semaphore_mem>>)
      %dma_wait3A = arith.constant 0 : i32
      %dma_wait3A_22 = tpu.memref_slice %arg6[%mul3A_0, %dma_wait3A] : memref<10112x128xf32, #tpu.memory_space<vmem_shared>> -> memref<632x128xf32, #tpu.memory_space<vmem_shared>>
      %dma_wait3A_23 = arith.constant 0 : i32
      %dma_wait3A_24 = tpu.memref_slice %arg4[%mul3A_0, %dma_wait3A_23] : memref<10112x128xf32, #tpu.memory_space<hbm>> -> memref<632x128xf32, #tpu.memory_space<hbm>>
      tpu.wait_dma2 semaphore(%run_scoped3A : memref<!tpu.dma_semaphore, #tpu.memory_space<semaphore_mem>>) src(%dma_wait3A_24 : memref<632x128xf32, #tpu.memory_space<hbm>>) dst(%dma_wait3A_22 : memref<632x128xf32, #tpu.memory_space<vmem_shared>>)
      tpu.yield
    }) : () -> ()
    %barrier3A = arith.constant 0 : index
    tpu.barrier barrier_id(%barrier3A)
    %mul3A_1 = arith.constant 16 : i32
    %mul3A_2 = arith.muli %arg0, %mul3A_1 : i32
    %add3A = arith.addi %mul3A_2, %arg1 : i32
    %mul3A_3 = arith.constant 5120 : i32
    %mul3A_4 = arith.muli %add3A, %mul3A_3 : i32
    %add3A_5 = arith.constant 0 : i32
    %add3A_6 = arith.addi %mul3A_4, %add3A_5 : i32
    %dma_start3A = arith.constant 0 : i32
    %dma_start3A_7 = tpu.memref_slice %arg2[%add3A_6, %dma_start3A] : memref<163840x128xf32, #tpu.memory_space<hbm>> -> memref<128x128xf32, #tpu.memory_space<hbm>>
    %dma_start3A_8 = arith.constant 0 : i32
    %dma_start3A_9 = tpu.memref_slice %arg2[%add3A_6, %dma_start3A_8] : memref<163840x128xf32, #tpu.memory_space<hbm>> -> memref<128x128xf32, #tpu.memory_space<hbm>>
    tpu.enqueue_dma source(%dma_start3A_9 : memref<128x128xf32, #tpu.memory_space<hbm>>) target(%arg9 : memref<128x128xf32, #tpu.memory_space<vmem>>) target_semaphore(%arg11 : memref<!tpu.dma_semaphore, #tpu.memory_space<semaphore_mem>>)
    %dma_start3A_10 = tpu.memref_slice %arg3[%add3A_6] : memref<163840xi32, #tpu.memory_space<hbm>> -> memref<128xi32, #tpu.memory_space<hbm>>
    %dma_start3A_11 = tpu.memref_slice %arg3[%add3A_6] : memref<163840xi32, #tpu.memory_space<hbm>> -> memref<128xi32, #tpu.memory_space<hbm>>
    tpu.enqueue_dma source(%dma_start3A_11 : memref<128xi32, #tpu.memory_space<hbm>>) target(%arg7 : memref<128xi32, #tpu.memory_space<vmem>>) target_semaphore(%arg13 : memref<!tpu.dma_semaphore, #tpu.memory_space<semaphore_mem>>)
    %scan3A = arith.constant 0 : i32
    %scan3A_12 = arith.constant 0 : i32
    %scan3A_13 = arith.constant 20 : i32
    %scan3A_14 = arith.addi %scan3A_12, %scan3A_13 : i32
    %scan3A_15 = arith.constant 1 : i32
    scf.for %scan3A_18 = %scan3A_12 to %scan3A_14 step %scan3A_15  : i32 {
      %mul3A_19 = arith.constant 2 : i32
      %mul3A_20 = arith.muli %mul3A_19, %scan3A_18 : i32
      %add3A_21 = arith.constant 1 : i32
      %add3A_22 = arith.addi %mul3A_20, %add3A_21 : i32
      %mul3A_23 = arith.constant 128 : i32
      %mul3A_24 = arith.muli %add3A_22, %mul3A_23 : i32
      %add3A_25 = arith.addi %mul3A_4, %mul3A_24 : i32
      %dma_start3A_26 = arith.constant 0 : i32
      %dma_start3A_27 = tpu.memref_slice %arg2[%add3A_25, %dma_start3A_26] : memref<163840x128xf32, #tpu.memory_space<hbm>> -> memref<128x128xf32, #tpu.memory_space<hbm>>
      %dma_start3A_28 = arith.constant 0 : i32
      %dma_start3A_29 = tpu.memref_slice %arg2[%add3A_25, %dma_start3A_28] : memref<163840x128xf32, #tpu.memory_space<hbm>> -> memref<128x128xf32, #tpu.memory_space<hbm>>
      tpu.enqueue_dma source(%dma_start3A_29 : memref<128x128xf32, #tpu.memory_space<hbm>>) target(%arg10 : memref<128x128xf32, #tpu.memory_space<vmem>>) target_semaphore(%arg12 : memref<!tpu.dma_semaphore, #tpu.memory_space<semaphore_mem>>)
      %dma_start3A_30 = tpu.memref_slice %arg3[%add3A_25] : memref<163840xi32, #tpu.memory_space<hbm>> -> memref<128xi32, #tpu.memory_space<hbm>>
      %dma_start3A_31 = tpu.memref_slice %arg3[%add3A_25] : memref<163840xi32, #tpu.memory_space<hbm>> -> memref<128xi32, #tpu.memory_space<hbm>>
      tpu.enqueue_dma source(%dma_start3A_31 : memref<128xi32, #tpu.memory_space<hbm>>) target(%arg8 : memref<128xi32, #tpu.memory_space<vmem>>) target_semaphore(%arg14 : memref<!tpu.dma_semaphore, #tpu.memory_space<semaphore_mem>>)
      %mul3A_32 = arith.constant 128 : i32
      %mul3A_33 = arith.muli %mul3A_20, %mul3A_32 : i32
      %add3A_34 = arith.addi %mul3A_4, %mul3A_33 : i32
      %dma_wait3A = arith.constant 0 : i32
      %dma_wait3A_35 = tpu.memref_slice %arg2[%add3A_34, %dma_wait3A] : memref<163840x128xf32, #tpu.memory_space<hbm>> -> memref<128x128xf32, #tpu.memory_space<hbm>>
      %dma_wait3A_36 = arith.constant 0 : i32
      %dma_wait3A_37 = tpu.memref_slice %arg2[%add3A_34, %dma_wait3A_36] : memref<163840x128xf32, #tpu.memory_space<hbm>> -> memref<128x128xf32, #tpu.memory_space<hbm>>
      tpu.wait_dma2 semaphore(%arg11 : memref<!tpu.dma_semaphore, #tpu.memory_space<semaphore_mem>>) src(%dma_wait3A_37 : memref<128x128xf32, #tpu.memory_space<hbm>>) dst(%arg9 : memref<128x128xf32, #tpu.memory_space<vmem>>)
      %dma_wait3A_38 = tpu.memref_slice %arg3[%add3A_34] : memref<163840xi32, #tpu.memory_space<hbm>> -> memref<128xi32, #tpu.memory_space<hbm>>
      %dma_wait3A_39 = tpu.memref_slice %arg3[%add3A_34] : memref<163840xi32, #tpu.memory_space<hbm>> -> memref<128xi32, #tpu.memory_space<hbm>>
      tpu.wait_dma2 semaphore(%arg13 : memref<!tpu.dma_semaphore, #tpu.memory_space<semaphore_mem>>) src(%dma_wait3A_39 : memref<128xi32, #tpu.memory_space<hbm>>) dst(%arg7 : memref<128xi32, #tpu.memory_space<vmem>>)
      "tpu.region"() ({
        %run_scoped3A = tpu.sem_alloc : memref<!tpu.dma_semaphore, #tpu.memory_space<semaphore_mem>>
        %dma_start3A_53 = arith.constant 0 : i32
        %dma_start3A_54 = arith.constant 0 : i32
        %dma_start3A_55 = tpu.memref_slice %arg6[%dma_start3A_53, %dma_start3A_54] : memref<10112x128xf32, #tpu.memory_space<vmem_shared>> -> memref<10112x128xf32, #tpu.memory_space<vmem_shared>>
        tpu.enqueue_indirect_dma source(%arg9 : memref<128x128xf32, #tpu.memory_space<vmem>>) target(%dma_start3A_55 : memref<10112x128xf32, #tpu.memory_space<vmem_shared>>) offsets(%arg7 : memref<128xi32, #tpu.memory_space<vmem>>) semaphore(%run_scoped3A : memref<!tpu.dma_semaphore, #tpu.memory_space<semaphore_mem>>) {add = true}
        %dma_wait3A_56 = arith.constant 0 : i32
        %dma_wait3A_57 = arith.constant 0 : i32
        %dma_wait3A_58 = tpu.memref_slice %arg6[%dma_wait3A_56, %dma_wait3A_57] : memref<10112x128xf32, #tpu.memory_space<vmem_shared>> -> memref<10112x128xf32, #tpu.memory_space<vmem_shared>>
        tpu.wait_indirect_dma semaphore(%run_scoped3A : memref<!tpu.dma_semaphore, #tpu.memory_space<semaphore_mem>>) src(%arg9 : memref<128x128xf32, #tpu.memory_space<vmem>>) dst(%dma_wait3A_58 : memref<10112x128xf32, #tpu.memory_space<vmem_shared>>)
        tpu.yield
      }) : () -> ()
      %add3A_40 = arith.constant 1 : i32
      %add3A_41 = arith.addi %add3A_22, %add3A_40 : i32
      %lt3A = arith.constant 40 : i32
      %lt3A_42 = arith.cmpi slt, %add3A_41, %lt3A : i32
      %convert_element_type3A = arith.extui %lt3A_42 : i1 to i32
      %cond3A = arith.constant 0 : i32
      %cond3A_43 = arith.cmpi ne, %convert_element_type3A, %cond3A : i32
      scf.if %cond3A_43 {
        %add3A_53 = arith.constant 1 : i32
        %add3A_54 = arith.addi %add3A_22, %add3A_53 : i32
        %mul3A_55 = arith.constant 128 : i32
        %mul3A_56 = arith.muli %add3A_54, %mul3A_55 : i32
        %add3A_57 = arith.addi %mul3A_4, %mul3A_56 : i32
        %dma_start3A_58 = arith.constant 0 : i32
        %dma_start3A_59 = tpu.memref_slice %arg2[%add3A_57, %dma_start3A_58] : memref<163840x128xf32, #tpu.memory_space<hbm>> -> memref<128x128xf32, #tpu.memory_space<hbm>>
        %dma_start3A_60 = arith.constant 0 : i32
        %dma_start3A_61 = tpu.memref_slice %arg2[%add3A_57, %dma_start3A_60] : memref<163840x128xf32, #tpu.memory_space<hbm>> -> memref<128x128xf32, #tpu.memory_space<hbm>>
        tpu.enqueue_dma source(%dma_start3A_61 : memref<128x128xf32, #tpu.memory_space<hbm>>) target(%arg9 : memref<128x128xf32, #tpu.memory_space<vmem>>) target_semaphore(%arg11 : memref<!tpu.dma_semaphore, #tpu.memory_space<semaphore_mem>>)
        %dma_start3A_62 = tpu.memref_slice %arg3[%add3A_57] : memref<163840xi32, #tpu.memory_space<hbm>> -> memref<128xi32, #tpu.memory_space<hbm>>
        %dma_start3A_63 = tpu.memref_slice %arg3[%add3A_57] : memref<163840xi32, #tpu.memory_space<hbm>> -> memref<128xi32, #tpu.memory_space<hbm>>
        tpu.enqueue_dma source(%dma_start3A_63 : memref<128xi32, #tpu.memory_space<hbm>>) target(%arg7 : memref<128xi32, #tpu.memory_space<vmem>>) target_semaphore(%arg13 : memref<!tpu.dma_semaphore, #tpu.memory_space<semaphore_mem>>)
      } else {
      }
      %mul3A_44 = arith.constant 128 : i32
      %mul3A_45 = arith.muli %add3A_22, %mul3A_44 : i32
      %add3A_46 = arith.addi %mul3A_4, %mul3A_45 : i32
      %dma_wait3A_47 = arith.constant 0 : i32
      %dma_wait3A_48 = tpu.memref_slice %arg2[%add3A_46, %dma_wait3A_47] : memref<163840x128xf32, #tpu.memory_space<hbm>> -> memref<128x128xf32, #tpu.memory_space<hbm>>
      %dma_wait3A_49 = arith.constant 0 : i32
      %dma_wait3A_50 = tpu.memref_slice %arg2[%add3A_46, %dma_wait3A_49] : memref<163840x128xf32, #tpu.memory_space<hbm>> -> memref<128x128xf32, #tpu.memory_space<hbm>>
      tpu.wait_dma2 semaphore(%arg12 : memref<!tpu.dma_semaphore, #tpu.memory_space<semaphore_mem>>) src(%dma_wait3A_50 : memref<128x128xf32, #tpu.memory_space<hbm>>) dst(%arg10 : memref<128x128xf32, #tpu.memory_space<vmem>>)
      %dma_wait3A_51 = tpu.memref_slice %arg3[%add3A_46] : memref<163840xi32, #tpu.memory_space<hbm>> -> memref<128xi32, #tpu.memory_space<hbm>>
      %dma_wait3A_52 = tpu.memref_slice %arg3[%add3A_46] : memref<163840xi32, #tpu.memory_space<hbm>> -> memref<128xi32, #tpu.memory_space<hbm>>
      tpu.wait_dma2 semaphore(%arg14 : memref<!tpu.dma_semaphore, #tpu.memory_space<semaphore_mem>>) src(%dma_wait3A_52 : memref<128xi32, #tpu.memory_space<hbm>>) dst(%arg8 : memref<128xi32, #tpu.memory_space<vmem>>)
      "tpu.region"() ({
        %run_scoped3A = tpu.sem_alloc : memref<!tpu.dma_semaphore, #tpu.memory_space<semaphore_mem>>
        %dma_start3A_53 = arith.constant 0 : i32
        %dma_start3A_54 = arith.constant 0 : i32
        %dma_start3A_55 = tpu.memref_slice %arg6[%dma_start3A_53, %dma_start3A_54] : memref<10112x128xf32, #tpu.memory_space<vmem_shared>> -> memref<10112x128xf32, #tpu.memory_space<vmem_shared>>
        tpu.enqueue_indirect_dma source(%arg10 : memref<128x128xf32, #tpu.memory_space<vmem>>) target(%dma_start3A_55 : memref<10112x128xf32, #tpu.memory_space<vmem_shared>>) offsets(%arg8 : memref<128xi32, #tpu.memory_space<vmem>>) semaphore(%run_scoped3A : memref<!tpu.dma_semaphore, #tpu.memory_space<semaphore_mem>>) {add = true}
        %dma_wait3A_56 = arith.constant 0 : i32
        %dma_wait3A_57 = arith.constant 0 : i32
        %dma_wait3A_58 = tpu.memref_slice %arg6[%dma_wait3A_56, %dma_wait3A_57] : memref<10112x128xf32, #tpu.memory_space<vmem_shared>> -> memref<10112x128xf32, #tpu.memory_space<vmem_shared>>
        tpu.wait_indirect_dma semaphore(%run_scoped3A : memref<!tpu.dma_semaphore, #tpu.memory_space<semaphore_mem>>) src(%arg10 : memref<128x128xf32, #tpu.memory_space<vmem>>) dst(%dma_wait3A_58 : memref<10112x128xf32, #tpu.memory_space<vmem_shared>>)
        tpu.yield
      }) : () -> ()
    }
    %scan3A_16 = arith.constant 20 : i32
    %barrier3A_17 = arith.constant 0 : index
    tpu.barrier barrier_id(%barrier3A_17)
    "tpu.region"() ({
      %run_scoped3A = tpu.sem_alloc : memref<!tpu.dma_semaphore, #tpu.memory_space<semaphore_mem>>
      %dma_start3A_18 = arith.constant 0 : i32
      %dma_start3A_19 = tpu.memref_slice %arg5[%arg0, %mul3A_0, %dma_start3A_18] : memref<2x10112x128xf32, #tpu.memory_space<hbm>> -> memref<1x632x128xf32, #tpu.memory_space<hbm>>
      %dma_start3A_20 = tpu.memref_squeeze %dma_start3A_19 : memref<1x632x128xf32, #tpu.memory_space<hbm>> -> memref<632x128xf32, #tpu.memory_space<hbm>>
      %dma_start3A_21 = arith.constant 0 : i32
      %dma_start3A_22 = tpu.memref_slice %arg6[%mul3A_0, %dma_start3A_21] : memref<10112x128xf32, #tpu.memory_space<vmem_shared>> -> memref<632x128xf32, #tpu.memory_space<vmem_shared>>
      tpu.enqueue_dma source(%dma_start3A_22 : memref<632x128xf32, #tpu.memory_space<vmem_shared>>) target(%dma_start3A_20 : memref<632x128xf32, #tpu.memory_space<hbm>>) target_semaphore(%run_scoped3A : memref<!tpu.dma_semaphore, #tpu.memory_space<semaphore_mem>>)
      %dma_wait3A = arith.constant 0 : i32
      %dma_wait3A_23 = tpu.memref_slice %arg5[%arg0, %mul3A_0, %dma_wait3A] : memref<2x10112x128xf32, #tpu.memory_space<hbm>> -> memref<1x632x128xf32, #tpu.memory_space<hbm>>
      %dma_wait3A_24 = tpu.memref_squeeze %dma_wait3A_23 : memref<1x632x128xf32, #tpu.memory_space<hbm>> -> memref<632x128xf32, #tpu.memory_space<hbm>>
      %dma_wait3A_25 = arith.constant 0 : i32
      %dma_wait3A_26 = tpu.memref_slice %arg6[%mul3A_0, %dma_wait3A_25] : memref<10112x128xf32, #tpu.memory_space<vmem_shared>> -> memref<632x128xf32, #tpu.memory_space<vmem_shared>>
      tpu.wait_dma2 semaphore(%run_scoped3A : memref<!tpu.dma_semaphore, #tpu.memory_space<semaphore_mem>>) src(%dma_wait3A_26 : memref<632x128xf32, #tpu.memory_space<vmem_shared>>) dst(%dma_wait3A_24 : memref<632x128xf32, #tpu.memory_space<hbm>>)
      tpu.yield
    }) : () -> ()
    return
  }
}

#map = affine_map<(d0, d1) -> (0, 0)>
#map1 = affine_map<(d0, d1) -> (0)>
#map2 = affine_map<(d0, d1) -> (0, 0, 0)>
module attributes {stable_mosaic.version = 14 : i64} {
  func.func @k(%arg0: i32, %arg1: i32, %arg2: memref<20000x128xf32, #tpu.memory_space<hbm>>, %arg3: memref<327680xi32, #tpu.memory_space<hbm>>, %arg4: memref<163840xi32, #tpu.memory_space<hbm>>, %arg5: memref<10112x128xf32, #tpu.memory_space<hbm>>, %arg6: memref<2x10112x128xf32, #tpu.memory_space<hbm>>, %arg7: memref<10112x128xf32, #tpu.memory_space<vmem_shared>>, %arg8: memref<64xi32, #tpu.memory_space<vmem>>, %arg9: memref<64xi32, #tpu.memory_space<vmem>>, %arg10: memref<64xi32, #tpu.memory_space<vmem>>, %arg11: memref<64xi32, #tpu.memory_space<vmem>>, %arg12: memref<64xi32, #tpu.memory_space<vmem>>, %arg13: memref<64xi32, #tpu.memory_space<vmem>>, %arg14: memref<64xi32, #tpu.memory_space<vmem>>, %arg15: memref<64xi32, #tpu.memory_space<vmem>>, %arg16: memref<64xi32, #tpu.memory_space<vmem>>, %arg17: memref<64xi32, #tpu.memory_space<vmem>>, %arg18: memref<64x128xf32, #tpu.memory_space<vmem>>, %arg19: memref<64x128xf32, #tpu.memory_space<vmem>>, %arg20: memref<64x128xf32, #tpu.memory_space<vmem>>, %arg21: memref<64x128xf32, #tpu.memory_space<vmem>>, %arg22: memref<64x128xf32, #tpu.memory_space<vmem>>, %arg23: memref<!tpu.dma_semaphore, #tpu.memory_space<semaphore_mem>>, %arg24: memref<!tpu.dma_semaphore, #tpu.memory_space<semaphore_mem>>, %arg25: memref<!tpu.dma_semaphore, #tpu.memory_space<semaphore_mem>>, %arg26: memref<!tpu.dma_semaphore, #tpu.memory_space<semaphore_mem>>, %arg27: memref<!tpu.dma_semaphore, #tpu.memory_space<semaphore_mem>>, %arg28: memref<!tpu.dma_semaphore, #tpu.memory_space<semaphore_mem>>, %arg29: memref<!tpu.dma_semaphore, #tpu.memory_space<semaphore_mem>>, %arg30: memref<!tpu.dma_semaphore, #tpu.memory_space<semaphore_mem>>, %arg31: memref<!tpu.dma_semaphore, #tpu.memory_space<semaphore_mem>>, %arg32: memref<!tpu.dma_semaphore, #tpu.memory_space<semaphore_mem>>) attributes {dimension_semantics = [#tpu.dimension_semantics<core_parallel>, #tpu.dimension_semantics<subcore_parallel>], iteration_bounds = array<i64: 2, 16>, scalar_prefetch = 0 : i64, scratch_operands = 26 : i64, tpu.core_type = #tpu.core_type<sc_vector_subcore>, window_params = [{transform_indices = #map}, {transform_indices = #map1}, {transform_indices = #map1}, {transform_indices = #map}, {transform_indices = #map2}]} {
    %mul3A = arith.constant 632 : i32
    %mul3A_0 = arith.muli %arg1, %mul3A : i32
    "tpu.region"() ({
      %run_scoped3A = tpu.sem_alloc : memref<!tpu.dma_semaphore, #tpu.memory_space<semaphore_mem>>
      %dma_start3A_74 = arith.constant 0 : i32
      %dma_start3A_75 = tpu.memref_slice %arg7[%mul3A_0, %dma_start3A_74] : memref<10112x128xf32, #tpu.memory_space<vmem_shared>> -> memref<632x128xf32, #tpu.memory_space<vmem_shared>>
      %dma_start3A_76 = arith.constant 0 : i32
      %dma_start3A_77 = tpu.memref_slice %arg5[%mul3A_0, %dma_start3A_76] : memref<10112x128xf32, #tpu.memory_space<hbm>> -> memref<632x128xf32, #tpu.memory_space<hbm>>
      tpu.enqueue_dma source(%dma_start3A_77 : memref<632x128xf32, #tpu.memory_space<hbm>>) target(%dma_start3A_75 : memref<632x128xf32, #tpu.memory_space<vmem_shared>>) target_semaphore(%run_scoped3A : memref<!tpu.dma_semaphore, #tpu.memory_space<semaphore_mem>>)
      %dma_wait3A_78 = arith.constant 0 : i32
      %dma_wait3A_79 = tpu.memref_slice %arg7[%mul3A_0, %dma_wait3A_78] : memref<10112x128xf32, #tpu.memory_space<vmem_shared>> -> memref<632x128xf32, #tpu.memory_space<vmem_shared>>
      %dma_wait3A_80 = arith.constant 0 : i32
      %dma_wait3A_81 = tpu.memref_slice %arg5[%mul3A_0, %dma_wait3A_80] : memref<10112x128xf32, #tpu.memory_space<hbm>> -> memref<632x128xf32, #tpu.memory_space<hbm>>
      tpu.wait_dma2 semaphore(%run_scoped3A : memref<!tpu.dma_semaphore, #tpu.memory_space<semaphore_mem>>) src(%dma_wait3A_81 : memref<632x128xf32, #tpu.memory_space<hbm>>) dst(%dma_wait3A_79 : memref<632x128xf32, #tpu.memory_space<vmem_shared>>)
      tpu.yield
    }) : () -> ()
    %barrier3A = arith.constant 0 : index
    tpu.barrier barrier_id(%barrier3A)
    %mul3A_1 = arith.constant 10240 : i32
    %mul3A_2 = arith.muli %arg1, %mul3A_1 : i32
    %mul3A_3 = arith.constant 163840 : i32
    %mul3A_4 = arith.muli %arg0, %mul3A_3 : i32
    %add3A = arith.addi %mul3A_4, %mul3A_2 : i32
    %add3A_5 = arith.constant 0 : i32
    %add3A_6 = arith.addi %add3A, %add3A_5 : i32
    %dma_start3A = tpu.memref_slice %arg3[%add3A_6] : memref<327680xi32, #tpu.memory_space<hbm>> -> memref<64xi32, #tpu.memory_space<hbm>>
    %dma_start3A_7 = tpu.memref_slice %arg3[%add3A_6] : memref<327680xi32, #tpu.memory_space<hbm>> -> memref<64xi32, #tpu.memory_space<hbm>>
    tpu.enqueue_dma source(%dma_start3A_7 : memref<64xi32, #tpu.memory_space<hbm>>) target(%arg8 : memref<64xi32, #tpu.memory_space<vmem>>) target_semaphore(%arg23 : memref<!tpu.dma_semaphore, #tpu.memory_space<semaphore_mem>>)
    %add3A_8 = arith.constant 0 : i32
    %add3A_9 = arith.addi %mul3A_2, %add3A_8 : i32
    %dma_start3A_10 = tpu.memref_slice %arg4[%add3A_9] : memref<163840xi32, #tpu.memory_space<hbm>> -> memref<64xi32, #tpu.memory_space<hbm>>
    %dma_start3A_11 = tpu.memref_slice %arg4[%add3A_9] : memref<163840xi32, #tpu.memory_space<hbm>> -> memref<64xi32, #tpu.memory_space<hbm>>
    tpu.enqueue_dma source(%dma_start3A_11 : memref<64xi32, #tpu.memory_space<hbm>>) target(%arg13 : memref<64xi32, #tpu.memory_space<vmem>>) target_semaphore(%arg23 : memref<!tpu.dma_semaphore, #tpu.memory_space<semaphore_mem>>)
    %add3A_12 = arith.constant 64 : i32
    %add3A_13 = arith.addi %add3A, %add3A_12 : i32
    %dma_start3A_14 = tpu.memref_slice %arg3[%add3A_13] : memref<327680xi32, #tpu.memory_space<hbm>> -> memref<64xi32, #tpu.memory_space<hbm>>
    %dma_start3A_15 = tpu.memref_slice %arg3[%add3A_13] : memref<327680xi32, #tpu.memory_space<hbm>> -> memref<64xi32, #tpu.memory_space<hbm>>
    tpu.enqueue_dma source(%dma_start3A_15 : memref<64xi32, #tpu.memory_space<hbm>>) target(%arg9 : memref<64xi32, #tpu.memory_space<vmem>>) target_semaphore(%arg24 : memref<!tpu.dma_semaphore, #tpu.memory_space<semaphore_mem>>)
    %add3A_16 = arith.constant 64 : i32
    %add3A_17 = arith.addi %mul3A_2, %add3A_16 : i32
    %dma_start3A_18 = tpu.memref_slice %arg4[%add3A_17] : memref<163840xi32, #tpu.memory_space<hbm>> -> memref<64xi32, #tpu.memory_space<hbm>>
    %dma_start3A_19 = tpu.memref_slice %arg4[%add3A_17] : memref<163840xi32, #tpu.memory_space<hbm>> -> memref<64xi32, #tpu.memory_space<hbm>>
    tpu.enqueue_dma source(%dma_start3A_19 : memref<64xi32, #tpu.memory_space<hbm>>) target(%arg14 : memref<64xi32, #tpu.memory_space<vmem>>) target_semaphore(%arg24 : memref<!tpu.dma_semaphore, #tpu.memory_space<semaphore_mem>>)
    %add3A_20 = arith.constant 128 : i32
    %add3A_21 = arith.addi %add3A, %add3A_20 : i32
    %dma_start3A_22 = tpu.memref_slice %arg3[%add3A_21] : memref<327680xi32, #tpu.memory_space<hbm>> -> memref<64xi32, #tpu.memory_space<hbm>>
    %dma_start3A_23 = tpu.memref_slice %arg3[%add3A_21] : memref<327680xi32, #tpu.memory_space<hbm>> -> memref<64xi32, #tpu.memory_space<hbm>>
    tpu.enqueue_dma source(%dma_start3A_23 : memref<64xi32, #tpu.memory_space<hbm>>) target(%arg10 : memref<64xi32, #tpu.memory_space<vmem>>) target_semaphore(%arg25 : memref<!tpu.dma_semaphore, #tpu.memory_space<semaphore_mem>>)
    %add3A_24 = arith.constant 128 : i32
    %add3A_25 = arith.addi %mul3A_2, %add3A_24 : i32
    %dma_start3A_26 = tpu.memref_slice %arg4[%add3A_25] : memref<163840xi32, #tpu.memory_space<hbm>> -> memref<64xi32, #tpu.memory_space<hbm>>
    %dma_start3A_27 = tpu.memref_slice %arg4[%add3A_25] : memref<163840xi32, #tpu.memory_space<hbm>> -> memref<64xi32, #tpu.memory_space<hbm>>
    tpu.enqueue_dma source(%dma_start3A_27 : memref<64xi32, #tpu.memory_space<hbm>>) target(%arg15 : memref<64xi32, #tpu.memory_space<vmem>>) target_semaphore(%arg25 : memref<!tpu.dma_semaphore, #tpu.memory_space<semaphore_mem>>)
    %add3A_28 = arith.constant 192 : i32
    %add3A_29 = arith.addi %add3A, %add3A_28 : i32
    %dma_start3A_30 = tpu.memref_slice %arg3[%add3A_29] : memref<327680xi32, #tpu.memory_space<hbm>> -> memref<64xi32, #tpu.memory_space<hbm>>
    %dma_start3A_31 = tpu.memref_slice %arg3[%add3A_29] : memref<327680xi32, #tpu.memory_space<hbm>> -> memref<64xi32, #tpu.memory_space<hbm>>
    tpu.enqueue_dma source(%dma_start3A_31 : memref<64xi32, #tpu.memory_space<hbm>>) target(%arg11 : memref<64xi32, #tpu.memory_space<vmem>>) target_semaphore(%arg26 : memref<!tpu.dma_semaphore, #tpu.memory_space<semaphore_mem>>)
    %add3A_32 = arith.constant 192 : i32
    %add3A_33 = arith.addi %mul3A_2, %add3A_32 : i32
    %dma_start3A_34 = tpu.memref_slice %arg4[%add3A_33] : memref<163840xi32, #tpu.memory_space<hbm>> -> memref<64xi32, #tpu.memory_space<hbm>>
    %dma_start3A_35 = tpu.memref_slice %arg4[%add3A_33] : memref<163840xi32, #tpu.memory_space<hbm>> -> memref<64xi32, #tpu.memory_space<hbm>>
    tpu.enqueue_dma source(%dma_start3A_35 : memref<64xi32, #tpu.memory_space<hbm>>) target(%arg16 : memref<64xi32, #tpu.memory_space<vmem>>) target_semaphore(%arg26 : memref<!tpu.dma_semaphore, #tpu.memory_space<semaphore_mem>>)
    %add3A_36 = arith.constant 0 : i32
    %add3A_37 = arith.addi %add3A, %add3A_36 : i32
    %dma_wait3A = tpu.memref_slice %arg3[%add3A_37] : memref<327680xi32, #tpu.memory_space<hbm>> -> memref<64xi32, #tpu.memory_space<hbm>>
    %dma_wait3A_38 = tpu.memref_slice %arg3[%add3A_37] : memref<327680xi32, #tpu.memory_space<hbm>> -> memref<64xi32, #tpu.memory_space<hbm>>
    tpu.wait_dma2 semaphore(%arg23 : memref<!tpu.dma_semaphore, #tpu.memory_space<semaphore_mem>>) src(%dma_wait3A_38 : memref<64xi32, #tpu.memory_space<hbm>>) dst(%arg8 : memref<64xi32, #tpu.memory_space<vmem>>)
    %add3A_39 = arith.constant 0 : i32
    %add3A_40 = arith.addi %mul3A_2, %add3A_39 : i32
    %dma_wait3A_41 = tpu.memref_slice %arg4[%add3A_40] : memref<163840xi32, #tpu.memory_space<hbm>> -> memref<64xi32, #tpu.memory_space<hbm>>
    %dma_wait3A_42 = tpu.memref_slice %arg4[%add3A_40] : memref<163840xi32, #tpu.memory_space<hbm>> -> memref<64xi32, #tpu.memory_space<hbm>>
    tpu.wait_dma2 semaphore(%arg23 : memref<!tpu.dma_semaphore, #tpu.memory_space<semaphore_mem>>) src(%dma_wait3A_42 : memref<64xi32, #tpu.memory_space<hbm>>) dst(%arg13 : memref<64xi32, #tpu.memory_space<vmem>>)
    %dma_start3A_43 = arith.constant 0 : i32
    %dma_start3A_44 = arith.constant 0 : i32
    %dma_start3A_45 = tpu.memref_slice %arg2[%dma_start3A_43, %dma_start3A_44] : memref<20000x128xf32, #tpu.memory_space<hbm>> -> memref<20000x128xf32, #tpu.memory_space<hbm>>
    tpu.enqueue_indirect_dma source(%dma_start3A_45 : memref<20000x128xf32, #tpu.memory_space<hbm>>) target(%arg18 : memref<64x128xf32, #tpu.memory_space<vmem>>) offsets(%arg8 : memref<64xi32, #tpu.memory_space<vmem>>) semaphore(%arg28 : memref<!tpu.dma_semaphore, #tpu.memory_space<semaphore_mem>>)
    %add3A_46 = arith.constant 64 : i32
    %add3A_47 = arith.addi %add3A, %add3A_46 : i32
    %dma_wait3A_48 = tpu.memref_slice %arg3[%add3A_47] : memref<327680xi32, #tpu.memory_space<hbm>> -> memref<64xi32, #tpu.memory_space<hbm>>
    %dma_wait3A_49 = tpu.memref_slice %arg3[%add3A_47] : memref<327680xi32, #tpu.memory_space<hbm>> -> memref<64xi32, #tpu.memory_space<hbm>>
    tpu.wait_dma2 semaphore(%arg24 : memref<!tpu.dma_semaphore, #tpu.memory_space<semaphore_mem>>) src(%dma_wait3A_49 : memref<64xi32, #tpu.memory_space<hbm>>) dst(%arg9 : memref<64xi32, #tpu.memory_space<vmem>>)
    %add3A_50 = arith.constant 64 : i32
    %add3A_51 = arith.addi %mul3A_2, %add3A_50 : i32
    %dma_wait3A_52 = tpu.memref_slice %arg4[%add3A_51] : memref<163840xi32, #tpu.memory_space<hbm>> -> memref<64xi32, #tpu.memory_space<hbm>>
    %dma_wait3A_53 = tpu.memref_slice %arg4[%add3A_51] : memref<163840xi32, #tpu.memory_space<hbm>> -> memref<64xi32, #tpu.memory_space<hbm>>
    tpu.wait_dma2 semaphore(%arg24 : memref<!tpu.dma_semaphore, #tpu.memory_space<semaphore_mem>>) src(%dma_wait3A_53 : memref<64xi32, #tpu.memory_space<hbm>>) dst(%arg14 : memref<64xi32, #tpu.memory_space<vmem>>)
    %dma_start3A_54 = arith.constant 0 : i32
    %dma_start3A_55 = arith.constant 0 : i32
    %dma_start3A_56 = tpu.memref_slice %arg2[%dma_start3A_54, %dma_start3A_55] : memref<20000x128xf32, #tpu.memory_space<hbm>> -> memref<20000x128xf32, #tpu.memory_space<hbm>>
    tpu.enqueue_indirect_dma source(%dma_start3A_56 : memref<20000x128xf32, #tpu.memory_space<hbm>>) target(%arg19 : memref<64x128xf32, #tpu.memory_space<vmem>>) offsets(%arg9 : memref<64xi32, #tpu.memory_space<vmem>>) semaphore(%arg29 : memref<!tpu.dma_semaphore, #tpu.memory_space<semaphore_mem>>)
    %add3A_57 = arith.constant 128 : i32
    %add3A_58 = arith.addi %add3A, %add3A_57 : i32
    %dma_wait3A_59 = tpu.memref_slice %arg3[%add3A_58] : memref<327680xi32, #tpu.memory_space<hbm>> -> memref<64xi32, #tpu.memory_space<hbm>>
    %dma_wait3A_60 = tpu.memref_slice %arg3[%add3A_58] : memref<327680xi32, #tpu.memory_space<hbm>> -> memref<64xi32, #tpu.memory_space<hbm>>
    tpu.wait_dma2 semaphore(%arg25 : memref<!tpu.dma_semaphore, #tpu.memory_space<semaphore_mem>>) src(%dma_wait3A_60 : memref<64xi32, #tpu.memory_space<hbm>>) dst(%arg10 : memref<64xi32, #tpu.memory_space<vmem>>)
    %add3A_61 = arith.constant 128 : i32
    %add3A_62 = arith.addi %mul3A_2, %add3A_61 : i32
    %dma_wait3A_63 = tpu.memref_slice %arg4[%add3A_62] : memref<163840xi32, #tpu.memory_space<hbm>> -> memref<64xi32, #tpu.memory_space<hbm>>
    %dma_wait3A_64 = tpu.memref_slice %arg4[%add3A_62] : memref<163840xi32, #tpu.memory_space<hbm>> -> memref<64xi32, #tpu.memory_space<hbm>>
    tpu.wait_dma2 semaphore(%arg25 : memref<!tpu.dma_semaphore, #tpu.memory_space<semaphore_mem>>) src(%dma_wait3A_64 : memref<64xi32, #tpu.memory_space<hbm>>) dst(%arg15 : memref<64xi32, #tpu.memory_space<vmem>>)
    %dma_start3A_65 = arith.constant 0 : i32
    %dma_start3A_66 = arith.constant 0 : i32
    %dma_start3A_67 = tpu.memref_slice %arg2[%dma_start3A_65, %dma_start3A_66] : memref<20000x128xf32, #tpu.memory_space<hbm>> -> memref<20000x128xf32, #tpu.memory_space<hbm>>
    tpu.enqueue_indirect_dma source(%dma_start3A_67 : memref<20000x128xf32, #tpu.memory_space<hbm>>) target(%arg20 : memref<64x128xf32, #tpu.memory_space<vmem>>) offsets(%arg10 : memref<64xi32, #tpu.memory_space<vmem>>) semaphore(%arg30 : memref<!tpu.dma_semaphore, #tpu.memory_space<semaphore_mem>>)
    %scan3A = arith.constant 0 : i32
    %scan3A_68 = arith.constant 0 : i32
    %scan3A_69 = arith.constant 32 : i32
    %scan3A_70 = arith.addi %scan3A_68, %scan3A_69 : i32
    %scan3A_71 = arith.constant 1 : i32
    scf.for %scan3A_74 = %scan3A_68 to %scan3A_70 step %scan3A_71  : i32 {
      %mul3A_75 = arith.constant 5 : i32
      %mul3A_76 = arith.muli %mul3A_75, %scan3A_74 : i32
      %add3A_77 = arith.constant 0 : i32
      %add3A_78 = arith.addi %mul3A_76, %add3A_77 : i32
      %add3A_79 = arith.constant 4 : i32
      %add3A_80 = arith.addi %add3A_78, %add3A_79 : i32
      %lt3A = arith.constant 160 : i32
      %lt3A_81 = arith.cmpi slt, %add3A_80, %lt3A : i32
      %convert_element_type3A = arith.extui %lt3A_81 : i1 to i32
      %cond3A = arith.constant 0 : i32
      %cond3A_82 = arith.cmpi ne, %convert_element_type3A, %cond3A : i32
      scf.if %cond3A_82 {
        %add3A_169 = arith.constant 4 : i32
        %add3A_170 = arith.addi %add3A_78, %add3A_169 : i32
        %mul3A_171 = arith.constant 64 : i32
        %mul3A_172 = arith.muli %add3A_170, %mul3A_171 : i32
        %add3A_173 = arith.addi %add3A, %mul3A_172 : i32
        %dma_start3A_174 = tpu.memref_slice %arg3[%add3A_173] : memref<327680xi32, #tpu.memory_space<hbm>> -> memref<64xi32, #tpu.memory_space<hbm>>
        %dma_start3A_175 = tpu.memref_slice %arg3[%add3A_173] : memref<327680xi32, #tpu.memory_space<hbm>> -> memref<64xi32, #tpu.memory_space<hbm>>
        tpu.enqueue_dma source(%dma_start3A_175 : memref<64xi32, #tpu.memory_space<hbm>>) target(%arg12 : memref<64xi32, #tpu.memory_space<vmem>>) target_semaphore(%arg27 : memref<!tpu.dma_semaphore, #tpu.memory_space<semaphore_mem>>)
        %mul3A_176 = arith.constant 64 : i32
        %mul3A_177 = arith.muli %add3A_170, %mul3A_176 : i32
        %add3A_178 = arith.addi %mul3A_2, %mul3A_177 : i32
        %dma_start3A_179 = tpu.memref_slice %arg4[%add3A_178] : memref<163840xi32, #tpu.memory_space<hbm>> -> memref<64xi32, #tpu.memory_space<hbm>>
        %dma_start3A_180 = tpu.memref_slice %arg4[%add3A_178] : memref<163840xi32, #tpu.memory_space<hbm>> -> memref<64xi32, #tpu.memory_space<hbm>>
        tpu.enqueue_dma source(%dma_start3A_180 : memref<64xi32, #tpu.memory_space<hbm>>) target(%arg17 : memref<64xi32, #tpu.memory_space<vmem>>) target_semaphore(%arg27 : memref<!tpu.dma_semaphore, #tpu.memory_space<semaphore_mem>>)
      } else {
      }
      %add3A_83 = arith.constant 3 : i32
      %add3A_84 = arith.addi %add3A_78, %add3A_83 : i32
      %lt3A_85 = arith.constant 160 : i32
      %lt3A_86 = arith.cmpi slt, %add3A_84, %lt3A_85 : i32
      %convert_element_type3A_87 = arith.extui %lt3A_86 : i1 to i32
      %cond3A_88 = arith.constant 0 : i32
      %cond3A_89 = arith.cmpi ne, %convert_element_type3A_87, %cond3A_88 : i32
      scf.if %cond3A_89 {
        %add3A_169 = arith.constant 3 : i32
        %add3A_170 = arith.addi %add3A_78, %add3A_169 : i32
        %mul3A_171 = arith.constant 64 : i32
        %mul3A_172 = arith.muli %add3A_170, %mul3A_171 : i32
        %add3A_173 = arith.addi %add3A, %mul3A_172 : i32
        %dma_wait3A_174 = tpu.memref_slice %arg3[%add3A_173] : memref<327680xi32, #tpu.memory_space<hbm>> -> memref<64xi32, #tpu.memory_space<hbm>>
        %dma_wait3A_175 = tpu.memref_slice %arg3[%add3A_173] : memref<327680xi32, #tpu.memory_space<hbm>> -> memref<64xi32, #tpu.memory_space<hbm>>
        tpu.wait_dma2 semaphore(%arg26 : memref<!tpu.dma_semaphore, #tpu.memory_space<semaphore_mem>>) src(%dma_wait3A_175 : memref<64xi32, #tpu.memory_space<hbm>>) dst(%arg11 : memref<64xi32, #tpu.memory_space<vmem>>)
        %mul3A_176 = arith.constant 64 : i32
        %mul3A_177 = arith.muli %add3A_170, %mul3A_176 : i32
        %add3A_178 = arith.addi %mul3A_2, %mul3A_177 : i32
        %dma_wait3A_179 = tpu.memref_slice %arg4[%add3A_178] : memref<163840xi32, #tpu.memory_space<hbm>> -> memref<64xi32, #tpu.memory_space<hbm>>
        %dma_wait3A_180 = tpu.memref_slice %arg4[%add3A_178] : memref<163840xi32, #tpu.memory_space<hbm>> -> memref<64xi32, #tpu.memory_space<hbm>>
        tpu.wait_dma2 semaphore(%arg26 : memref<!tpu.dma_semaphore, #tpu.memory_space<semaphore_mem>>) src(%dma_wait3A_180 : memref<64xi32, #tpu.memory_space<hbm>>) dst(%arg16 : memref<64xi32, #tpu.memory_space<vmem>>)
        %dma_start3A_181 = arith.constant 0 : i32
        %dma_start3A_182 = arith.constant 0 : i32
        %dma_start3A_183 = tpu.memref_slice %arg2[%dma_start3A_181, %dma_start3A_182] : memref<20000x128xf32, #tpu.memory_space<hbm>> -> memref<20000x128xf32, #tpu.memory_space<hbm>>
        tpu.enqueue_indirect_dma source(%dma_start3A_183 : memref<20000x128xf32, #tpu.memory_space<hbm>>) target(%arg21 : memref<64x128xf32, #tpu.memory_space<vmem>>) offsets(%arg11 : memref<64xi32, #tpu.memory_space<vmem>>) semaphore(%arg31 : memref<!tpu.dma_semaphore, #tpu.memory_space<semaphore_mem>>)
      } else {
      }
      %dma_wait3A_90 = arith.constant 0 : i32
      %dma_wait3A_91 = arith.constant 0 : i32
      %dma_wait3A_92 = tpu.memref_slice %arg2[%dma_wait3A_90, %dma_wait3A_91] : memref<20000x128xf32, #tpu.memory_space<hbm>> -> memref<20000x128xf32, #tpu.memory_space<hbm>>
      tpu.wait_indirect_dma semaphore(%arg28 : memref<!tpu.dma_semaphore, #tpu.memory_space<semaphore_mem>>) src(%dma_wait3A_92 : memref<20000x128xf32, #tpu.memory_space<hbm>>) dst(%arg18 : memref<64x128xf32, #tpu.memory_space<vmem>>)
      "tpu.region"() ({
        %run_scoped3A = tpu.sem_alloc : memref<!tpu.dma_semaphore, #tpu.memory_space<semaphore_mem>>
        %dma_start3A_169 = arith.constant 0 : i32
        %dma_start3A_170 = arith.constant 0 : i32
        %dma_start3A_171 = tpu.memref_slice %arg7[%dma_start3A_169, %dma_start3A_170] : memref<10112x128xf32, #tpu.memory_space<vmem_shared>> -> memref<10112x128xf32, #tpu.memory_space<vmem_shared>>
        tpu.enqueue_indirect_dma source(%arg18 : memref<64x128xf32, #tpu.memory_space<vmem>>) target(%dma_start3A_171 : memref<10112x128xf32, #tpu.memory_space<vmem_shared>>) offsets(%arg13 : memref<64xi32, #tpu.memory_space<vmem>>) semaphore(%run_scoped3A : memref<!tpu.dma_semaphore, #tpu.memory_space<semaphore_mem>>) {add = true}
        %dma_wait3A_172 = arith.constant 0 : i32
        %dma_wait3A_173 = arith.constant 0 : i32
        %dma_wait3A_174 = tpu.memref_slice %arg7[%dma_wait3A_172, %dma_wait3A_173] : memref<10112x128xf32, #tpu.memory_space<vmem_shared>> -> memref<10112x128xf32, #tpu.memory_space<vmem_shared>>
        tpu.wait_indirect_dma semaphore(%run_scoped3A : memref<!tpu.dma_semaphore, #tpu.memory_space<semaphore_mem>>) src(%arg18 : memref<64x128xf32, #tpu.memory_space<vmem>>) dst(%dma_wait3A_174 : memref<10112x128xf32, #tpu.memory_space<vmem_shared>>)
        tpu.yield
      }) : () -> ()
      %add3A_93 = arith.constant 1 : i32
      %add3A_94 = arith.addi %mul3A_76, %add3A_93 : i32
      %add3A_95 = arith.constant 4 : i32
      %add3A_96 = arith.addi %add3A_94, %add3A_95 : i32
      %lt3A_97 = arith.constant 160 : i32
      %lt3A_98 = arith.cmpi slt, %add3A_96, %lt3A_97 : i32
      %convert_element_type3A_99 = arith.extui %lt3A_98 : i1 to i32
      %cond3A_100 = arith.constant 0 : i32
      %cond3A_101 = arith.cmpi ne, %convert_element_type3A_99, %cond3A_100 : i32
      scf.if %cond3A_101 {
        %add3A_169 = arith.constant 4 : i32
        %add3A_170 = arith.addi %add3A_94, %add3A_169 : i32
        %mul3A_171 = arith.constant 64 : i32
        %mul3A_172 = arith.muli %add3A_170, %mul3A_171 : i32
        %add3A_173 = arith.addi %add3A, %mul3A_172 : i32
        %dma_start3A_174 = tpu.memref_slice %arg3[%add3A_173] : memref<327680xi32, #tpu.memory_space<hbm>> -> memref<64xi32, #tpu.memory_space<hbm>>
        %dma_start3A_175 = tpu.memref_slice %arg3[%add3A_173] : memref<327680xi32, #tpu.memory_space<hbm>> -> memref<64xi32, #tpu.memory_space<hbm>>
        tpu.enqueue_dma source(%dma_start3A_175 : memref<64xi32, #tpu.memory_space<hbm>>) target(%arg8 : memref<64xi32, #tpu.memory_space<vmem>>) target_semaphore(%arg23 : memref<!tpu.dma_semaphore, #tpu.memory_space<semaphore_mem>>)
        %mul3A_176 = arith.constant 64 : i32
        %mul3A_177 = arith.muli %add3A_170, %mul3A_176 : i32
        %add3A_178 = arith.addi %mul3A_2, %mul3A_177 : i32
        %dma_start3A_179 = tpu.memref_slice %arg4[%add3A_178] : memref<163840xi32, #tpu.memory_space<hbm>> -> memref<64xi32, #tpu.memory_space<hbm>>
        %dma_start3A_180 = tpu.memref_slice %arg4[%add3A_178] : memref<163840xi32, #tpu.memory_space<hbm>> -> memref<64xi32, #tpu.memory_space<hbm>>
        tpu.enqueue_dma source(%dma_start3A_180 : memref<64xi32, #tpu.memory_space<hbm>>) target(%arg13 : memref<64xi32, #tpu.memory_space<vmem>>) target_semaphore(%arg23 : memref<!tpu.dma_semaphore, #tpu.memory_space<semaphore_mem>>)
      } else {
      }
      %add3A_102 = arith.constant 3 : i32
      %add3A_103 = arith.addi %add3A_94, %add3A_102 : i32
      %lt3A_104 = arith.constant 160 : i32
      %lt3A_105 = arith.cmpi slt, %add3A_103, %lt3A_104 : i32
      %convert_element_type3A_106 = arith.extui %lt3A_105 : i1 to i32
      %cond3A_107 = arith.constant 0 : i32
      %cond3A_108 = arith.cmpi ne, %convert_element_type3A_106, %cond3A_107 : i32
      scf.if %cond3A_108 {
        %add3A_169 = arith.constant 3 : i32
        %add3A_170 = arith.addi %add3A_94, %add3A_169 : i32
        %mul3A_171 = arith.constant 64 : i32
        %mul3A_172 = arith.muli %add3A_170, %mul3A_171 : i32
        %add3A_173 = arith.addi %add3A, %mul3A_172 : i32
        %dma_wait3A_174 = tpu.memref_slice %arg3[%add3A_173] : memref<327680xi32, #tpu.memory_space<hbm>> -> memref<64xi32, #tpu.memory_space<hbm>>
        %dma_wait3A_175 = tpu.memref_slice %arg3[%add3A_173] : memref<327680xi32, #tpu.memory_space<hbm>> -> memref<64xi32, #tpu.memory_space<hbm>>
        tpu.wait_dma2 semaphore(%arg27 : memref<!tpu.dma_semaphore, #tpu.memory_space<semaphore_mem>>) src(%dma_wait3A_175 : memref<64xi32, #tpu.memory_space<hbm>>) dst(%arg12 : memref<64xi32, #tpu.memory_space<vmem>>)
        %mul3A_176 = arith.constant 64 : i32
        %mul3A_177 = arith.muli %add3A_170, %mul3A_176 : i32
        %add3A_178 = arith.addi %mul3A_2, %mul3A_177 : i32
        %dma_wait3A_179 = tpu.memref_slice %arg4[%add3A_178] : memref<163840xi32, #tpu.memory_space<hbm>> -> memref<64xi32, #tpu.memory_space<hbm>>
        %dma_wait3A_180 = tpu.memref_slice %arg4[%add3A_178] : memref<163840xi32, #tpu.memory_space<hbm>> -> memref<64xi32, #tpu.memory_space<hbm>>
        tpu.wait_dma2 semaphore(%arg27 : memref<!tpu.dma_semaphore, #tpu.memory_space<semaphore_mem>>) src(%dma_wait3A_180 : memref<64xi32, #tpu.memory_space<hbm>>) dst(%arg17 : memref<64xi32, #tpu.memory_space<vmem>>)
        %dma_start3A_181 = arith.constant 0 : i32
        %dma_start3A_182 = arith.constant 0 : i32
        %dma_start3A_183 = tpu.memref_slice %arg2[%dma_start3A_181, %dma_start3A_182] : memref<20000x128xf32, #tpu.memory_space<hbm>> -> memref<20000x128xf32, #tpu.memory_space<hbm>>
        tpu.enqueue_indirect_dma source(%dma_start3A_183 : memref<20000x128xf32, #tpu.memory_space<hbm>>) target(%arg22 : memref<64x128xf32, #tpu.memory_space<vmem>>) offsets(%arg12 : memref<64xi32, #tpu.memory_space<vmem>>) semaphore(%arg32 : memref<!tpu.dma_semaphore, #tpu.memory_space<semaphore_mem>>)
      } else {
      }
      %dma_wait3A_109 = arith.constant 0 : i32
      %dma_wait3A_110 = arith.constant 0 : i32
      %dma_wait3A_111 = tpu.memref_slice %arg2[%dma_wait3A_109, %dma_wait3A_110] : memref<20000x128xf32, #tpu.memory_space<hbm>> -> memref<20000x128xf32, #tpu.memory_space<hbm>>
      tpu.wait_indirect_dma semaphore(%arg29 : memref<!tpu.dma_semaphore, #tpu.memory_space<semaphore_mem>>) src(%dma_wait3A_111 : memref<20000x128xf32, #tpu.memory_space<hbm>>) dst(%arg19 : memref<64x128xf32, #tpu.memory_space<vmem>>)
      "tpu.region"() ({
        %run_scoped3A = tpu.sem_alloc : memref<!tpu.dma_semaphore, #tpu.memory_space<semaphore_mem>>
        %dma_start3A_169 = arith.constant 0 : i32
        %dma_start3A_170 = arith.constant 0 : i32
        %dma_start3A_171 = tpu.memref_slice %arg7[%dma_start3A_169, %dma_start3A_170] : memref<10112x128xf32, #tpu.memory_space<vmem_shared>> -> memref<10112x128xf32, #tpu.memory_space<vmem_shared>>
        tpu.enqueue_indirect_dma source(%arg19 : memref<64x128xf32, #tpu.memory_space<vmem>>) target(%dma_start3A_171 : memref<10112x128xf32, #tpu.memory_space<vmem_shared>>) offsets(%arg14 : memref<64xi32, #tpu.memory_space<vmem>>) semaphore(%run_scoped3A : memref<!tpu.dma_semaphore, #tpu.memory_space<semaphore_mem>>) {add = true}
        %dma_wait3A_172 = arith.constant 0 : i32
        %dma_wait3A_173 = arith.constant 0 : i32
        %dma_wait3A_174 = tpu.memref_slice %arg7[%dma_wait3A_172, %dma_wait3A_173] : memref<10112x128xf32, #tpu.memory_space<vmem_shared>> -> memref<10112x128xf32, #tpu.memory_space<vmem_shared>>
        tpu.wait_indirect_dma semaphore(%run_scoped3A : memref<!tpu.dma_semaphore, #tpu.memory_space<semaphore_mem>>) src(%arg19 : memref<64x128xf32, #tpu.memory_space<vmem>>) dst(%dma_wait3A_174 : memref<10112x128xf32, #tpu.memory_space<vmem_shared>>)
        tpu.yield
      }) : () -> ()
      %add3A_112 = arith.constant 2 : i32
      %add3A_113 = arith.addi %mul3A_76, %add3A_112 : i32
      %add3A_114 = arith.constant 4 : i32
      %add3A_115 = arith.addi %add3A_113, %add3A_114 : i32
      %lt3A_116 = arith.constant 160 : i32
      %lt3A_117 = arith.cmpi slt, %add3A_115, %lt3A_116 : i32
      %convert_element_type3A_118 = arith.extui %lt3A_117 : i1 to i32
      %cond3A_119 = arith.constant 0 : i32
      %cond3A_120 = arith.cmpi ne, %convert_element_type3A_118, %cond3A_119 : i32
      scf.if %cond3A_120 {
        %add3A_169 = arith.constant 4 : i32
        %add3A_170 = arith.addi %add3A_113, %add3A_169 : i32
        %mul3A_171 = arith.constant 64 : i32
        %mul3A_172 = arith.muli %add3A_170, %mul3A_171 : i32
        %add3A_173 = arith.addi %add3A, %mul3A_172 : i32
        %dma_start3A_174 = tpu.memref_slice %arg3[%add3A_173] : memref<327680xi32, #tpu.memory_space<hbm>> -> memref<64xi32, #tpu.memory_space<hbm>>
        %dma_start3A_175 = tpu.memref_slice %arg3[%add3A_173] : memref<327680xi32, #tpu.memory_space<hbm>> -> memref<64xi32, #tpu.memory_space<hbm>>
        tpu.enqueue_dma source(%dma_start3A_175 : memref<64xi32, #tpu.memory_space<hbm>>) target(%arg9 : memref<64xi32, #tpu.memory_space<vmem>>) target_semaphore(%arg24 : memref<!tpu.dma_semaphore, #tpu.memory_space<semaphore_mem>>)
        %mul3A_176 = arith.constant 64 : i32
        %mul3A_177 = arith.muli %add3A_170, %mul3A_176 : i32
        %add3A_178 = arith.addi %mul3A_2, %mul3A_177 : i32
        %dma_start3A_179 = tpu.memref_slice %arg4[%add3A_178] : memref<163840xi32, #tpu.memory_space<hbm>> -> memref<64xi32, #tpu.memory_space<hbm>>
        %dma_start3A_180 = tpu.memref_slice %arg4[%add3A_178] : memref<163840xi32, #tpu.memory_space<hbm>> -> memref<64xi32, #tpu.memory_space<hbm>>
        tpu.enqueue_dma source(%dma_start3A_180 : memref<64xi32, #tpu.memory_space<hbm>>) target(%arg14 : memref<64xi32, #tpu.memory_space<vmem>>) target_semaphore(%arg24 : memref<!tpu.dma_semaphore, #tpu.memory_space<semaphore_mem>>)
      } else {
      }
      %add3A_121 = arith.constant 3 : i32
      %add3A_122 = arith.addi %add3A_113, %add3A_121 : i32
      %lt3A_123 = arith.constant 160 : i32
      %lt3A_124 = arith.cmpi slt, %add3A_122, %lt3A_123 : i32
      %convert_element_type3A_125 = arith.extui %lt3A_124 : i1 to i32
      %cond3A_126 = arith.constant 0 : i32
      %cond3A_127 = arith.cmpi ne, %convert_element_type3A_125, %cond3A_126 : i32
      scf.if %cond3A_127 {
        %add3A_169 = arith.constant 3 : i32
        %add3A_170 = arith.addi %add3A_113, %add3A_169 : i32
        %mul3A_171 = arith.constant 64 : i32
        %mul3A_172 = arith.muli %add3A_170, %mul3A_171 : i32
        %add3A_173 = arith.addi %add3A, %mul3A_172 : i32
        %dma_wait3A_174 = tpu.memref_slice %arg3[%add3A_173] : memref<327680xi32, #tpu.memory_space<hbm>> -> memref<64xi32, #tpu.memory_space<hbm>>
        %dma_wait3A_175 = tpu.memref_slice %arg3[%add3A_173] : memref<327680xi32, #tpu.memory_space<hbm>> -> memref<64xi32, #tpu.memory_space<hbm>>
        tpu.wait_dma2 semaphore(%arg23 : memref<!tpu.dma_semaphore, #tpu.memory_space<semaphore_mem>>) src(%dma_wait3A_175 : memref<64xi32, #tpu.memory_space<hbm>>) dst(%arg8 : memref<64xi32, #tpu.memory_space<vmem>>)
        %mul3A_176 = arith.constant 64 : i32
        %mul3A_177 = arith.muli %add3A_170, %mul3A_176 : i32
        %add3A_178 = arith.addi %mul3A_2, %mul3A_177 : i32
        %dma_wait3A_179 = tpu.memref_slice %arg4[%add3A_178] : memref<163840xi32, #tpu.memory_space<hbm>> -> memref<64xi32, #tpu.memory_space<hbm>>
        %dma_wait3A_180 = tpu.memref_slice %arg4[%add3A_178] : memref<163840xi32, #tpu.memory_space<hbm>> -> memref<64xi32, #tpu.memory_space<hbm>>
        tpu.wait_dma2 semaphore(%arg23 : memref<!tpu.dma_semaphore, #tpu.memory_space<semaphore_mem>>) src(%dma_wait3A_180 : memref<64xi32, #tpu.memory_space<hbm>>) dst(%arg13 : memref<64xi32, #tpu.memory_space<vmem>>)
        %dma_start3A_181 = arith.constant 0 : i32
        %dma_start3A_182 = arith.constant 0 : i32
        %dma_start3A_183 = tpu.memref_slice %arg2[%dma_start3A_181, %dma_start3A_182] : memref<20000x128xf32, #tpu.memory_space<hbm>> -> memref<20000x128xf32, #tpu.memory_space<hbm>>
        tpu.enqueue_indirect_dma source(%dma_start3A_183 : memref<20000x128xf32, #tpu.memory_space<hbm>>) target(%arg18 : memref<64x128xf32, #tpu.memory_space<vmem>>) offsets(%arg8 : memref<64xi32, #tpu.memory_space<vmem>>) semaphore(%arg28 : memref<!tpu.dma_semaphore, #tpu.memory_space<semaphore_mem>>)
      } else {
      }
      %dma_wait3A_128 = arith.constant 0 : i32
      %dma_wait3A_129 = arith.constant 0 : i32
      %dma_wait3A_130 = tpu.memref_slice %arg2[%dma_wait3A_128, %dma_wait3A_129] : memref<20000x128xf32, #tpu.memory_space<hbm>> -> memref<20000x128xf32, #tpu.memory_space<hbm>>
      tpu.wait_indirect_dma semaphore(%arg30 : memref<!tpu.dma_semaphore, #tpu.memory_space<semaphore_mem>>) src(%dma_wait3A_130 : memref<20000x128xf32, #tpu.memory_space<hbm>>) dst(%arg20 : memref<64x128xf32, #tpu.memory_space<vmem>>)
      "tpu.region"() ({
        %run_scoped3A = tpu.sem_alloc : memref<!tpu.dma_semaphore, #tpu.memory_space<semaphore_mem>>
        %dma_start3A_169 = arith.constant 0 : i32
        %dma_start3A_170 = arith.constant 0 : i32
        %dma_start3A_171 = tpu.memref_slice %arg7[%dma_start3A_169, %dma_start3A_170] : memref<10112x128xf32, #tpu.memory_space<vmem_shared>> -> memref<10112x128xf32, #tpu.memory_space<vmem_shared>>
        tpu.enqueue_indirect_dma source(%arg20 : memref<64x128xf32, #tpu.memory_space<vmem>>) target(%dma_start3A_171 : memref<10112x128xf32, #tpu.memory_space<vmem_shared>>) offsets(%arg15 : memref<64xi32, #tpu.memory_space<vmem>>) semaphore(%run_scoped3A : memref<!tpu.dma_semaphore, #tpu.memory_space<semaphore_mem>>) {add = true}
        %dma_wait3A_172 = arith.constant 0 : i32
        %dma_wait3A_173 = arith.constant 0 : i32
        %dma_wait3A_174 = tpu.memref_slice %arg7[%dma_wait3A_172, %dma_wait3A_173] : memref<10112x128xf32, #tpu.memory_space<vmem_shared>> -> memref<10112x128xf32, #tpu.memory_space<vmem_shared>>
        tpu.wait_indirect_dma semaphore(%run_scoped3A : memref<!tpu.dma_semaphore, #tpu.memory_space<semaphore_mem>>) src(%arg20 : memref<64x128xf32, #tpu.memory_space<vmem>>) dst(%dma_wait3A_174 : memref<10112x128xf32, #tpu.memory_space<vmem_shared>>)
        tpu.yield
      }) : () -> ()
      %add3A_131 = arith.constant 3 : i32
      %add3A_132 = arith.addi %mul3A_76, %add3A_131 : i32
      %add3A_133 = arith.constant 4 : i32
      %add3A_134 = arith.addi %add3A_132, %add3A_133 : i32
      %lt3A_135 = arith.constant 160 : i32
      %lt3A_136 = arith.cmpi slt, %add3A_134, %lt3A_135 : i32
      %convert_element_type3A_137 = arith.extui %lt3A_136 : i1 to i32
      %cond3A_138 = arith.constant 0 : i32
      %cond3A_139 = arith.cmpi ne, %convert_element_type3A_137, %cond3A_138 : i32
      scf.if %cond3A_139 {
        %add3A_169 = arith.constant 4 : i32
        %add3A_170 = arith.addi %add3A_132, %add3A_169 : i32
        %mul3A_171 = arith.constant 64 : i32
        %mul3A_172 = arith.muli %add3A_170, %mul3A_171 : i32
        %add3A_173 = arith.addi %add3A, %mul3A_172 : i32
        %dma_start3A_174 = tpu.memref_slice %arg3[%add3A_173] : memref<327680xi32, #tpu.memory_space<hbm>> -> memref<64xi32, #tpu.memory_space<hbm>>
        %dma_start3A_175 = tpu.memref_slice %arg3[%add3A_173] : memref<327680xi32, #tpu.memory_space<hbm>> -> memref<64xi32, #tpu.memory_space<hbm>>
        tpu.enqueue_dma source(%dma_start3A_175 : memref<64xi32, #tpu.memory_space<hbm>>) target(%arg10 : memref<64xi32, #tpu.memory_space<vmem>>) target_semaphore(%arg25 : memref<!tpu.dma_semaphore, #tpu.memory_space<semaphore_mem>>)
        %mul3A_176 = arith.constant 64 : i32
        %mul3A_177 = arith.muli %add3A_170, %mul3A_176 : i32
        %add3A_178 = arith.addi %mul3A_2, %mul3A_177 : i32
        %dma_start3A_179 = tpu.memref_slice %arg4[%add3A_178] : memref<163840xi32, #tpu.memory_space<hbm>> -> memref<64xi32, #tpu.memory_space<hbm>>
        %dma_start3A_180 = tpu.memref_slice %arg4[%add3A_178] : memref<163840xi32, #tpu.memory_space<hbm>> -> memref<64xi32, #tpu.memory_space<hbm>>
        tpu.enqueue_dma source(%dma_start3A_180 : memref<64xi32, #tpu.memory_space<hbm>>) target(%arg15 : memref<64xi32, #tpu.memory_space<vmem>>) target_semaphore(%arg25 : memref<!tpu.dma_semaphore, #tpu.memory_space<semaphore_mem>>)
      } else {
      }
      %add3A_140 = arith.constant 3 : i32
      %add3A_141 = arith.addi %add3A_132, %add3A_140 : i32
      %lt3A_142 = arith.constant 160 : i32
      %lt3A_143 = arith.cmpi slt, %add3A_141, %lt3A_142 : i32
      %convert_element_type3A_144 = arith.extui %lt3A_143 : i1 to i32
      %cond3A_145 = arith.constant 0 : i32
      %cond3A_146 = arith.cmpi ne, %convert_element_type3A_144, %cond3A_145 : i32
      scf.if %cond3A_146 {
        %add3A_169 = arith.constant 3 : i32
        %add3A_170 = arith.addi %add3A_132, %add3A_169 : i32
        %mul3A_171 = arith.constant 64 : i32
        %mul3A_172 = arith.muli %add3A_170, %mul3A_171 : i32
        %add3A_173 = arith.addi %add3A, %mul3A_172 : i32
        %dma_wait3A_174 = tpu.memref_slice %arg3[%add3A_173] : memref<327680xi32, #tpu.memory_space<hbm>> -> memref<64xi32, #tpu.memory_space<hbm>>
        %dma_wait3A_175 = tpu.memref_slice %arg3[%add3A_173] : memref<327680xi32, #tpu.memory_space<hbm>> -> memref<64xi32, #tpu.memory_space<hbm>>
        tpu.wait_dma2 semaphore(%arg24 : memref<!tpu.dma_semaphore, #tpu.memory_space<semaphore_mem>>) src(%dma_wait3A_175 : memref<64xi32, #tpu.memory_space<hbm>>) dst(%arg9 : memref<64xi32, #tpu.memory_space<vmem>>)
        %mul3A_176 = arith.constant 64 : i32
        %mul3A_177 = arith.muli %add3A_170, %mul3A_176 : i32
        %add3A_178 = arith.addi %mul3A_2, %mul3A_177 : i32
        %dma_wait3A_179 = tpu.memref_slice %arg4[%add3A_178] : memref<163840xi32, #tpu.memory_space<hbm>> -> memref<64xi32, #tpu.memory_space<hbm>>
        %dma_wait3A_180 = tpu.memref_slice %arg4[%add3A_178] : memref<163840xi32, #tpu.memory_space<hbm>> -> memref<64xi32, #tpu.memory_space<hbm>>
        tpu.wait_dma2 semaphore(%arg24 : memref<!tpu.dma_semaphore, #tpu.memory_space<semaphore_mem>>) src(%dma_wait3A_180 : memref<64xi32, #tpu.memory_space<hbm>>) dst(%arg14 : memref<64xi32, #tpu.memory_space<vmem>>)
        %dma_start3A_181 = arith.constant 0 : i32
        %dma_start3A_182 = arith.constant 0 : i32
        %dma_start3A_183 = tpu.memref_slice %arg2[%dma_start3A_181, %dma_start3A_182] : memref<20000x128xf32, #tpu.memory_space<hbm>> -> memref<20000x128xf32, #tpu.memory_space<hbm>>
        tpu.enqueue_indirect_dma source(%dma_start3A_183 : memref<20000x128xf32, #tpu.memory_space<hbm>>) target(%arg19 : memref<64x128xf32, #tpu.memory_space<vmem>>) offsets(%arg9 : memref<64xi32, #tpu.memory_space<vmem>>) semaphore(%arg29 : memref<!tpu.dma_semaphore, #tpu.memory_space<semaphore_mem>>)
      } else {
      }
      %dma_wait3A_147 = arith.constant 0 : i32
      %dma_wait3A_148 = arith.constant 0 : i32
      %dma_wait3A_149 = tpu.memref_slice %arg2[%dma_wait3A_147, %dma_wait3A_148] : memref<20000x128xf32, #tpu.memory_space<hbm>> -> memref<20000x128xf32, #tpu.memory_space<hbm>>
      tpu.wait_indirect_dma semaphore(%arg31 : memref<!tpu.dma_semaphore, #tpu.memory_space<semaphore_mem>>) src(%dma_wait3A_149 : memref<20000x128xf32, #tpu.memory_space<hbm>>) dst(%arg21 : memref<64x128xf32, #tpu.memory_space<vmem>>)
      "tpu.region"() ({
        %run_scoped3A = tpu.sem_alloc : memref<!tpu.dma_semaphore, #tpu.memory_space<semaphore_mem>>
        %dma_start3A_169 = arith.constant 0 : i32
        %dma_start3A_170 = arith.constant 0 : i32
        %dma_start3A_171 = tpu.memref_slice %arg7[%dma_start3A_169, %dma_start3A_170] : memref<10112x128xf32, #tpu.memory_space<vmem_shared>> -> memref<10112x128xf32, #tpu.memory_space<vmem_shared>>
        tpu.enqueue_indirect_dma source(%arg21 : memref<64x128xf32, #tpu.memory_space<vmem>>) target(%dma_start3A_171 : memref<10112x128xf32, #tpu.memory_space<vmem_shared>>) offsets(%arg16 : memref<64xi32, #tpu.memory_space<vmem>>) semaphore(%run_scoped3A : memref<!tpu.dma_semaphore, #tpu.memory_space<semaphore_mem>>) {add = true}
        %dma_wait3A_172 = arith.constant 0 : i32
        %dma_wait3A_173 = arith.constant 0 : i32
        %dma_wait3A_174 = tpu.memref_slice %arg7[%dma_wait3A_172, %dma_wait3A_173] : memref<10112x128xf32, #tpu.memory_space<vmem_shared>> -> memref<10112x128xf32, #tpu.memory_space<vmem_shared>>
        tpu.wait_indirect_dma semaphore(%run_scoped3A : memref<!tpu.dma_semaphore, #tpu.memory_space<semaphore_mem>>) src(%arg21 : memref<64x128xf32, #tpu.memory_space<vmem>>) dst(%dma_wait3A_174 : memref<10112x128xf32, #tpu.memory_space<vmem_shared>>)
        tpu.yield
      }) : () -> ()
      %add3A_150 = arith.constant 4 : i32
      %add3A_151 = arith.addi %mul3A_76, %add3A_150 : i32
      %add3A_152 = arith.constant 4 : i32
      %add3A_153 = arith.addi %add3A_151, %add3A_152 : i32
      %lt3A_154 = arith.constant 160 : i32
      %lt3A_155 = arith.cmpi slt, %add3A_153, %lt3A_154 : i32
      %convert_element_type3A_156 = arith.extui %lt3A_155 : i1 to i32
      %cond3A_157 = arith.constant 0 : i32
      %cond3A_158 = arith.cmpi ne, %convert_element_type3A_156, %cond3A_157 : i32
      scf.if %cond3A_158 {
        %add3A_169 = arith.constant 4 : i32
        %add3A_170 = arith.addi %add3A_151, %add3A_169 : i32
        %mul3A_171 = arith.constant 64 : i32
        %mul3A_172 = arith.muli %add3A_170, %mul3A_171 : i32
        %add3A_173 = arith.addi %add3A, %mul3A_172 : i32
        %dma_start3A_174 = tpu.memref_slice %arg3[%add3A_173] : memref<327680xi32, #tpu.memory_space<hbm>> -> memref<64xi32, #tpu.memory_space<hbm>>
        %dma_start3A_175 = tpu.memref_slice %arg3[%add3A_173] : memref<327680xi32, #tpu.memory_space<hbm>> -> memref<64xi32, #tpu.memory_space<hbm>>
        tpu.enqueue_dma source(%dma_start3A_175 : memref<64xi32, #tpu.memory_space<hbm>>) target(%arg11 : memref<64xi32, #tpu.memory_space<vmem>>) target_semaphore(%arg26 : memref<!tpu.dma_semaphore, #tpu.memory_space<semaphore_mem>>)
        %mul3A_176 = arith.constant 64 : i32
        %mul3A_177 = arith.muli %add3A_170, %mul3A_176 : i32
        %add3A_178 = arith.addi %mul3A_2, %mul3A_177 : i32
        %dma_start3A_179 = tpu.memref_slice %arg4[%add3A_178] : memref<163840xi32, #tpu.memory_space<hbm>> -> memref<64xi32, #tpu.memory_space<hbm>>
        %dma_start3A_180 = tpu.memref_slice %arg4[%add3A_178] : memref<163840xi32, #tpu.memory_space<hbm>> -> memref<64xi32, #tpu.memory_space<hbm>>
        tpu.enqueue_dma source(%dma_start3A_180 : memref<64xi32, #tpu.memory_space<hbm>>) target(%arg16 : memref<64xi32, #tpu.memory_space<vmem>>) target_semaphore(%arg26 : memref<!tpu.dma_semaphore, #tpu.memory_space<semaphore_mem>>)
      } else {
      }
      %add3A_159 = arith.constant 3 : i32
      %add3A_160 = arith.addi %add3A_151, %add3A_159 : i32
      %lt3A_161 = arith.constant 160 : i32
      %lt3A_162 = arith.cmpi slt, %add3A_160, %lt3A_161 : i32
      %convert_element_type3A_163 = arith.extui %lt3A_162 : i1 to i32
      %cond3A_164 = arith.constant 0 : i32
      %cond3A_165 = arith.cmpi ne, %convert_element_type3A_163, %cond3A_164 : i32
      scf.if %cond3A_165 {
        %add3A_169 = arith.constant 3 : i32
        %add3A_170 = arith.addi %add3A_151, %add3A_169 : i32
        %mul3A_171 = arith.constant 64 : i32
        %mul3A_172 = arith.muli %add3A_170, %mul3A_171 : i32
        %add3A_173 = arith.addi %add3A, %mul3A_172 : i32
        %dma_wait3A_174 = tpu.memref_slice %arg3[%add3A_173] : memref<327680xi32, #tpu.memory_space<hbm>> -> memref<64xi32, #tpu.memory_space<hbm>>
        %dma_wait3A_175 = tpu.memref_slice %arg3[%add3A_173] : memref<327680xi32, #tpu.memory_space<hbm>> -> memref<64xi32, #tpu.memory_space<hbm>>
        tpu.wait_dma2 semaphore(%arg25 : memref<!tpu.dma_semaphore, #tpu.memory_space<semaphore_mem>>) src(%dma_wait3A_175 : memref<64xi32, #tpu.memory_space<hbm>>) dst(%arg10 : memref<64xi32, #tpu.memory_space<vmem>>)
        %mul3A_176 = arith.constant 64 : i32
        %mul3A_177 = arith.muli %add3A_170, %mul3A_176 : i32
        %add3A_178 = arith.addi %mul3A_2, %mul3A_177 : i32
        %dma_wait3A_179 = tpu.memref_slice %arg4[%add3A_178] : memref<163840xi32, #tpu.memory_space<hbm>> -> memref<64xi32, #tpu.memory_space<hbm>>
        %dma_wait3A_180 = tpu.memref_slice %arg4[%add3A_178] : memref<163840xi32, #tpu.memory_space<hbm>> -> memref<64xi32, #tpu.memory_space<hbm>>
        tpu.wait_dma2 semaphore(%arg25 : memref<!tpu.dma_semaphore, #tpu.memory_space<semaphore_mem>>) src(%dma_wait3A_180 : memref<64xi32, #tpu.memory_space<hbm>>) dst(%arg15 : memref<64xi32, #tpu.memory_space<vmem>>)
        %dma_start3A_181 = arith.constant 0 : i32
        %dma_start3A_182 = arith.constant 0 : i32
        %dma_start3A_183 = tpu.memref_slice %arg2[%dma_start3A_181, %dma_start3A_182] : memref<20000x128xf32, #tpu.memory_space<hbm>> -> memref<20000x128xf32, #tpu.memory_space<hbm>>
        tpu.enqueue_indirect_dma source(%dma_start3A_183 : memref<20000x128xf32, #tpu.memory_space<hbm>>) target(%arg20 : memref<64x128xf32, #tpu.memory_space<vmem>>) offsets(%arg10 : memref<64xi32, #tpu.memory_space<vmem>>) semaphore(%arg30 : memref<!tpu.dma_semaphore, #tpu.memory_space<semaphore_mem>>)
      } else {
      }
      %dma_wait3A_166 = arith.constant 0 : i32
      %dma_wait3A_167 = arith.constant 0 : i32
      %dma_wait3A_168 = tpu.memref_slice %arg2[%dma_wait3A_166, %dma_wait3A_167] : memref<20000x128xf32, #tpu.memory_space<hbm>> -> memref<20000x128xf32, #tpu.memory_space<hbm>>
      tpu.wait_indirect_dma semaphore(%arg32 : memref<!tpu.dma_semaphore, #tpu.memory_space<semaphore_mem>>) src(%dma_wait3A_168 : memref<20000x128xf32, #tpu.memory_space<hbm>>) dst(%arg22 : memref<64x128xf32, #tpu.memory_space<vmem>>)
      "tpu.region"() ({
        %run_scoped3A = tpu.sem_alloc : memref<!tpu.dma_semaphore, #tpu.memory_space<semaphore_mem>>
        %dma_start3A_169 = arith.constant 0 : i32
        %dma_start3A_170 = arith.constant 0 : i32
        %dma_start3A_171 = tpu.memref_slice %arg7[%dma_start3A_169, %dma_start3A_170] : memref<10112x128xf32, #tpu.memory_space<vmem_shared>> -> memref<10112x128xf32, #tpu.memory_space<vmem_shared>>
        tpu.enqueue_indirect_dma source(%arg22 : memref<64x128xf32, #tpu.memory_space<vmem>>) target(%dma_start3A_171 : memref<10112x128xf32, #tpu.memory_space<vmem_shared>>) offsets(%arg17 : memref<64xi32, #tpu.memory_space<vmem>>) semaphore(%run_scoped3A : memref<!tpu.dma_semaphore, #tpu.memory_space<semaphore_mem>>) {add = true}
        %dma_wait3A_172 = arith.constant 0 : i32
        %dma_wait3A_173 = arith.constant 0 : i32
        %dma_wait3A_174 = tpu.memref_slice %arg7[%dma_wait3A_172, %dma_wait3A_173] : memref<10112x128xf32, #tpu.memory_space<vmem_shared>> -> memref<10112x128xf32, #tpu.memory_space<vmem_shared>>
        tpu.wait_indirect_dma semaphore(%run_scoped3A : memref<!tpu.dma_semaphore, #tpu.memory_space<semaphore_mem>>) src(%arg22 : memref<64x128xf32, #tpu.memory_space<vmem>>) dst(%dma_wait3A_174 : memref<10112x128xf32, #tpu.memory_space<vmem_shared>>)
        tpu.yield
      }) : () -> ()
    }
    %scan3A_72 = arith.constant 32 : i32
    %barrier3A_73 = arith.constant 0 : index
    tpu.barrier barrier_id(%barrier3A_73)
    "tpu.region"() ({
      %run_scoped3A = tpu.sem_alloc : memref<!tpu.dma_semaphore, #tpu.memory_space<semaphore_mem>>
      %dma_start3A_74 = arith.constant 0 : i32
      %dma_start3A_75 = tpu.memref_slice %arg6[%arg0, %mul3A_0, %dma_start3A_74] : memref<2x10112x128xf32, #tpu.memory_space<hbm>> -> memref<1x632x128xf32, #tpu.memory_space<hbm>>
      %dma_start3A_76 = tpu.memref_squeeze %dma_start3A_75 : memref<1x632x128xf32, #tpu.memory_space<hbm>> -> memref<632x128xf32, #tpu.memory_space<hbm>>
      %dma_start3A_77 = arith.constant 0 : i32
      %dma_start3A_78 = tpu.memref_slice %arg7[%mul3A_0, %dma_start3A_77] : memref<10112x128xf32, #tpu.memory_space<vmem_shared>> -> memref<632x128xf32, #tpu.memory_space<vmem_shared>>
      tpu.enqueue_dma source(%dma_start3A_78 : memref<632x128xf32, #tpu.memory_space<vmem_shared>>) target(%dma_start3A_76 : memref<632x128xf32, #tpu.memory_space<hbm>>) target_semaphore(%run_scoped3A : memref<!tpu.dma_semaphore, #tpu.memory_space<semaphore_mem>>)
      %dma_wait3A_79 = arith.constant 0 : i32
      %dma_wait3A_80 = tpu.memref_slice %arg6[%arg0, %mul3A_0, %dma_wait3A_79] : memref<2x10112x128xf32, #tpu.memory_space<hbm>> -> memref<1x632x128xf32, #tpu.memory_space<hbm>>
      %dma_wait3A_81 = tpu.memref_squeeze %dma_wait3A_80 : memref<1x632x128xf32, #tpu.memory_space<hbm>> -> memref<632x128xf32, #tpu.memory_space<hbm>>
      %dma_wait3A_82 = arith.constant 0 : i32
      %dma_wait3A_83 = tpu.memref_slice %arg7[%mul3A_0, %dma_wait3A_82] : memref<10112x128xf32, #tpu.memory_space<vmem_shared>> -> memref<632x128xf32, #tpu.memory_space<vmem_shared>>
      tpu.wait_dma2 semaphore(%run_scoped3A : memref<!tpu.dma_semaphore, #tpu.memory_space<semaphore_mem>>) src(%dma_wait3A_83 : memref<632x128xf32, #tpu.memory_space<vmem_shared>>) dst(%dma_wait3A_81 : memref<632x128xf32, #tpu.memory_space<hbm>>)
      tpu.yield
    }) : () -> ()
    return
  }
}

module attributes {stable_mosaic.version = 14 : i64} {
  func.func @body(%arg0: i32, %arg1: memref<1000x256xf32, #tpu.memory_space<vmem>>, %arg2: memref<1000x128xf32, #tpu.memory_space<vmem>>, %arg3: memref<1000x128xf32, #tpu.memory_space<vmem>>, %arg4: memref<1000x128xf32, #tpu.memory_space<vmem>>, %arg5: memref<1000x128xf32, #tpu.memory_space<vmem>>, %arg6: memref<256x256xf32, #tpu.memory_space<vmem>>, %arg7: memref<256x16xf32, #tpu.memory_space<vmem>>, %arg8: memref<256x512xf32, #tpu.memory_space<vmem>>, %arg9: memref<1x256xf32, #tpu.memory_space<vmem>>, %arg10: memref<1x256xf32, #tpu.memory_space<vmem>>, %arg11: memref<1x256xf32, #tpu.memory_space<vmem>>, %arg12: memref<1000x256xf32, #tpu.memory_space<vmem>>) attributes {dimension_semantics = [#tpu.dimension_semantics<arbitrary>], iteration_bounds = array<i64: 10>, scalar_prefetch = 0 : i64, scratch_operands = 0 : i64, tpu.core_type = #tpu.core_type<tc>, window_params = [{transform_indices = @transform_0, window_bounds = array<i64: 1000, 256>}, {transform_indices = @transform_1, window_bounds = array<i64: 1000, 128>}, {transform_indices = @transform_2, window_bounds = array<i64: 1000, 128>}, {transform_indices = @transform_3, window_bounds = array<i64: 1000, 128>}, {transform_indices = @transform_4, window_bounds = array<i64: 1000, 128>}, {pipeline_mode = #tpu.pipeline_mode<synchronous>, transform_indices = @transform_5, window_bounds = array<i64: 256, 256>}, {pipeline_mode = #tpu.pipeline_mode<synchronous>, transform_indices = @transform_6, window_bounds = array<i64: 256, 16>}, {pipeline_mode = #tpu.pipeline_mode<synchronous>, transform_indices = @transform_7, window_bounds = array<i64: 256, 512>}, {pipeline_mode = #tpu.pipeline_mode<synchronous>, transform_indices = @transform_8, window_bounds = array<i64: 1, 256>}, {pipeline_mode = #tpu.pipeline_mode<synchronous>, transform_indices = @transform_9, window_bounds = array<i64: 1, 256>}, {pipeline_mode = #tpu.pipeline_mode<synchronous>, transform_indices = @transform_10, window_bounds = array<i64: 1, 256>}, {transform_indices = @transform_11, window_bounds = array<i64: 1000, 256>}]} {
    %get3A = arith.constant 0 : index
    %get3A_0 = arith.constant 0 : index
    %get3A_1 = vector.load %arg1[%get3A, %get3A_0] : memref<1000x256xf32, #tpu.memory_space<vmem>>, vector<1000x256xf32>
    %get3A_2 = arith.constant 0 : index
    %get3A_3 = arith.constant 0 : index
    %get3A_4 = vector.load %arg4[%get3A_2, %get3A_3] : memref<1000x128xf32, #tpu.memory_space<vmem>>, vector<1000x128xf32>
    %get3A_5 = arith.constant 0 : index
    %get3A_6 = arith.constant 0 : index
    %get3A_7 = vector.load %arg5[%get3A_5, %get3A_6] : memref<1000x128xf32, #tpu.memory_space<vmem>>, vector<1000x128xf32>
    %add3A = arith.addf %get3A_4, %get3A_7 : vector<1000x128xf32>
    %slice3A = vector.extract_strided_slice %add3A {offsets = [0, 16], sizes = [1000, 1], strides = [1, 1]} : vector<1000x128xf32> to vector<1000x1xf32>
    %get3A_8 = arith.constant 0 : index
    %get3A_9 = arith.constant 0 : index
    %get3A_10 = vector.load %arg2[%get3A_8, %get3A_9] : memref<1000x128xf32, #tpu.memory_space<vmem>>, vector<1000x128xf32>
    %get3A_11 = arith.constant 0 : index
    %get3A_12 = arith.constant 0 : index
    %get3A_13 = vector.load %arg6[%get3A_11, %get3A_12] : memref<256x256xf32, #tpu.memory_space<vmem>>, vector<256x128xf32>
    %dot_general3A = arith.constant dense<0.000000e+00> : vector<1000x256xf32>
    %dot_general3A_14 = tpu.matmul %get3A_10, %get3A_13, %dot_general3A {dimension_numbers = #tpu.dot_dimension_numbers<[1], [1], [0], [0], [0, 0, 1, 0], [], []>, transpose_lhs_hint = false} : vector<1000x128xf32>, vector<256x128xf32>, vector<1000x256xf32> -> vector<1000x256xf32>
    %get3A_15 = arith.constant 0 : index
    %get3A_16 = arith.constant 0 : index
    %get3A_17 = vector.load %arg3[%get3A_15, %get3A_16] : memref<1000x128xf32, #tpu.memory_space<vmem>>, vector<1000x128xf32>
    %get3A_18 = arith.constant 0 : index
    %get3A_19 = arith.constant 128 : index
    %get3A_20 = vector.load %arg6[%get3A_18, %get3A_19] : memref<256x256xf32, #tpu.memory_space<vmem>>, vector<256x128xf32>
    %dot_general3A_21 = arith.constant dense<0.000000e+00> : vector<1000x256xf32>
    %dot_general3A_22 = tpu.matmul %get3A_17, %get3A_20, %dot_general3A_21 {dimension_numbers = #tpu.dot_dimension_numbers<[1], [1], [0], [0], [0, 0, 1, 0], [], []>, transpose_lhs_hint = false} : vector<1000x128xf32>, vector<256x128xf32>, vector<1000x256xf32> -> vector<1000x256xf32>
    %add3A_23 = arith.addf %dot_general3A_14, %dot_general3A_22 : vector<1000x256xf32>
    %slice3A_24 = vector.extract_strided_slice %add3A {offsets = [0, 0], sizes = [1000, 16], strides = [1, 1]} : vector<1000x128xf32> to vector<1000x16xf32>
    %get3A_25 = arith.constant 0 : index
    %get3A_26 = arith.constant 0 : index
    %get3A_27 = vector.load %arg7[%get3A_25, %get3A_26] : memref<256x16xf32, #tpu.memory_space<vmem>>, vector<256x16xf32>
    %dot_general3A_28 = arith.constant dense<0.000000e+00> : vector<1000x256xf32>
    %dot_general3A_29 = tpu.matmul %slice3A_24, %get3A_27, %dot_general3A_28 {dimension_numbers = #tpu.dot_dimension_numbers<[1], [1], [0], [0], [0, 0, 1, 0], [], []>, transpose_lhs_hint = false} : vector<1000x16xf32>, vector<256x16xf32>, vector<1000x256xf32> -> vector<1000x256xf32>
    %add3A_30 = arith.addf %add3A_23, %dot_general3A_29 : vector<1000x256xf32>
    %get3A_31 = arith.constant 0 : index
    %get3A_32 = arith.constant 0 : index
    %get3A_33 = vector.load %arg9[%get3A_31, %get3A_32] : memref<1x256xf32, #tpu.memory_space<vmem>>, vector<1x256xf32>
    %get3A_34 = arith.constant 0 : index
    %get3A_35 = arith.constant 0 : index
    %get3A_36 = vector.load %arg10[%get3A_34, %get3A_35] : memref<1x256xf32, #tpu.memory_space<vmem>>, vector<1x256xf32>
    %add3A_37 = arith.addf %get3A_33, %get3A_36 : vector<1x256xf32>
    %mul3A = vector.broadcast %slice3A : vector<1000x1xf32> to vector<1000x256xf32>
    %mul3A_38 = vector.broadcast %add3A_37 : vector<1x256xf32> to vector<1000x256xf32>
    %mul3A_39 = arith.mulf %mul3A, %mul3A_38 : vector<1000x256xf32>
    %add3A_40 = arith.addf %add3A_30, %mul3A_39 : vector<1000x256xf32>
    %add3A_41 = arith.addf %add3A_40, %get3A_1 : vector<1000x256xf32>
    %max3A = arith.constant 1.000000e+00 : f32
    %max3A_42 = vector.broadcast %max3A : f32 to vector<1000x1xf32>
    %max3A_43 = arith.maximumf %slice3A, %max3A_42 : vector<1000x1xf32>
    %div3A = vector.broadcast %max3A_43 : vector<1000x1xf32> to vector<1000x256xf32>
    %div3A_44 = arith.divf %add3A_41, %div3A : vector<1000x256xf32>
    %get3A_45 = arith.constant 0 : index
    %get3A_46 = arith.constant 0 : index
    %get3A_47 = vector.load %arg8[%get3A_45, %get3A_46] : memref<256x512xf32, #tpu.memory_space<vmem>>, vector<256x256xf32>
    %dot_general3A_48 = arith.constant dense<0.000000e+00> : vector<1000x256xf32>
    %dot_general3A_49 = tpu.matmul %get3A_1, %get3A_47, %dot_general3A_48 {dimension_numbers = #tpu.dot_dimension_numbers<[1], [1], [0], [0], [0, 0, 1, 0], [], []>, transpose_lhs_hint = false} : vector<1000x256xf32>, vector<256x256xf32>, vector<1000x256xf32> -> vector<1000x256xf32>
    %get3A_50 = arith.constant 0 : index
    %get3A_51 = arith.constant 256 : index
    %get3A_52 = vector.load %arg8[%get3A_50, %get3A_51] : memref<256x512xf32, #tpu.memory_space<vmem>>, vector<256x256xf32>
    %dot_general3A_53 = arith.constant dense<0.000000e+00> : vector<1000x256xf32>
    %dot_general3A_54 = tpu.matmul %div3A_44, %get3A_52, %dot_general3A_53 {dimension_numbers = #tpu.dot_dimension_numbers<[1], [1], [0], [0], [0, 0, 1, 0], [], []>, transpose_lhs_hint = false} : vector<1000x256xf32>, vector<256x256xf32>, vector<1000x256xf32> -> vector<1000x256xf32>
    %add3A_55 = arith.addf %dot_general3A_49, %dot_general3A_54 : vector<1000x256xf32>
    %get3A_56 = arith.constant 0 : index
    %get3A_57 = arith.constant 0 : index
    %get3A_58 = vector.load %arg11[%get3A_56, %get3A_57] : memref<1x256xf32, #tpu.memory_space<vmem>>, vector<1x256xf32>
    %add3A_59 = vector.broadcast %get3A_58 : vector<1x256xf32> to vector<1000x256xf32>
    %add3A_60 = arith.addf %add3A_55, %add3A_59 : vector<1000x256xf32>
    %swap3A = arith.constant 0 : index
    %swap3A_61 = arith.constant 0 : index
    %swap3A_62 = vector.load %arg12[%swap3A, %swap3A_61] : memref<1000x256xf32, #tpu.memory_space<vmem>>, vector<1000x256xf32>
    tpu.vector_store %arg12[%swap3A, %swap3A_61], %add3A_60 {strides = array<i32>} : memref<1000x256xf32, #tpu.memory_space<vmem>>, vector<1000x256xf32>,
    return
  }
  func.func @transform_0(%arg0: i32) -> (i32, i32) {
    %c0_i32 = arith.constant 0 : i32
    %c0_i32_0 = arith.constant 0 : i32
    return %arg0, %c0_i32 : i32, i32
  }
  func.func @transform_1(%arg0: i32) -> (i32, i32) {
    %c0_i32 = arith.constant 0 : i32
    %c0_i32_0 = arith.constant 0 : i32
    return %arg0, %c0_i32 : i32, i32
  }
  func.func @transform_2(%arg0: i32) -> (i32, i32) {
    %c0_i32 = arith.constant 0 : i32
    %c0_i32_0 = arith.constant 0 : i32
    return %arg0, %c0_i32 : i32, i32
  }
  func.func @transform_3(%arg0: i32) -> (i32, i32) {
    %c0_i32 = arith.constant 0 : i32
    %c0_i32_0 = arith.constant 0 : i32
    return %arg0, %c0_i32 : i32, i32
  }
  func.func @transform_4(%arg0: i32) -> (i32, i32) {
    %c0_i32 = arith.constant 0 : i32
    %c0_i32_0 = arith.constant 0 : i32
    return %arg0, %c0_i32 : i32, i32
  }
  func.func @transform_5(%arg0: i32) -> (i32, i32) {
    %c0_i32 = arith.constant 0 : i32
    %c0_i32_0 = arith.constant 0 : i32
    %c0_i32_1 = arith.constant 0 : i32
    return %c0_i32, %c0_i32_0 : i32, i32
  }
  func.func @transform_6(%arg0: i32) -> (i32, i32) {
    %c0_i32 = arith.constant 0 : i32
    %c0_i32_0 = arith.constant 0 : i32
    %c0_i32_1 = arith.constant 0 : i32
    return %c0_i32, %c0_i32_0 : i32, i32
  }
  func.func @transform_7(%arg0: i32) -> (i32, i32) {
    %c0_i32 = arith.constant 0 : i32
    %c0_i32_0 = arith.constant 0 : i32
    %c0_i32_1 = arith.constant 0 : i32
    return %c0_i32, %c0_i32_0 : i32, i32
  }
  func.func @transform_8(%arg0: i32) -> (i32, i32) {
    %c0_i32 = arith.constant 0 : i32
    %c0_i32_0 = arith.constant 0 : i32
    %c0_i32_1 = arith.constant 0 : i32
    return %c0_i32, %c0_i32_0 : i32, i32
  }
  func.func @transform_9(%arg0: i32) -> (i32, i32) {
    %c0_i32 = arith.constant 0 : i32
    %c0_i32_0 = arith.constant 0 : i32
    %c0_i32_1 = arith.constant 0 : i32
    return %c0_i32, %c0_i32_0 : i32, i32
  }
  func.func @transform_10(%arg0: i32) -> (i32, i32) {
    %c0_i32 = arith.constant 0 : i32
    %c0_i32_0 = arith.constant 0 : i32
    %c0_i32_1 = arith.constant 0 : i32
    return %c0_i32, %c0_i32_0 : i32, i32
  }
  func.func @transform_11(%arg0: i32) -> (i32, i32) {
    %c0_i32 = arith.constant 0 : i32
    %c0_i32_0 = arith.constant 0 : i32
    return %arg0, %c0_i32 : i32, i32
  }
}

</mosaic_0001>

<sc_bundles>
// kernel: kernel.5.cloned.1.call-start
scs
__scs_entry_jumppad:
0x0: {  	(pc) =	sbr.rel $0x88, $3  }
0x1: {  	(tag) =	ssettag $0x0;
	lr =	simm.s32 $0x1  }
0x2: {  	[smem:$0x3F98] =	sst lr;
	_ =	strace $0xD0000000  }
0x3: {  	_ = 	snop  }
0x4: {  	_ = 	snop  }
0x5: {  	_ = 	snop  }
0x6: {  	_ = 	snop  }
0x7: {  	_ = 	snop  }
__scs_overlays_trampoline_lowered:
0x8: {  	[smem:$0x3FA7] =	sst s0  }
0x9: {  	[smem:$0x3FA8] =	sst s1  }
0xa: {  	[smem:$0x3FA9] =	sst s2  }
0xb: {  	[smem:$0x3FAA] =	sst s3  }
0xc: {  	[smem:$0x3FAB] =	sst s4  }
0xd: {  	[smem:$0x3FAC] =	sst s5  }
0xe: {  	[smem:$0x3FAD] =	sst s6  }
0xf: {  	[smem:$0x3FAE] =	sst s7  }
0x10: {  	[smem:$0x3FAF] =	sst s8  }
0x11: {  	[smem:$0x3FB0] =	sst s9;
	s0 =	simm.s32 @!p0 $0x0  }
0x12: {  	s1 =	sld [smem:$0x3F96];
	s0 =	simm.s32 @p0 $0x1  }
0x13: {  	[smem:$0x3FB1] =	sst s0;
	s0 =	simm.s32 @!p1 $0x0  }
0x14: {  	s2 =	sld [smem:$0x3F95];
	s0 =	simm.s32 @p1 $0x1  }
0x15: {  	[smem:$0x3FB2] =	sst s0;
	s0 =	simm.s32 @!p2 $0x0  }
0x16: {  	s3 =	sld [smem:$0x3FDB];
	s0 =	simm.s32 @p2 $0x1  }
0x17: {  	s4 =	simm.s32 $0x1BF5;
	[smem:$0x3FB4] =	sst s0  }
0x18: {  	s0 =	sld [smem:$0x3F97];
	_ =	swait.ge [sflag:s4], $0x0  }
0x19: {  	s7 =	sld [smem:$0x3F98]  }
0x1a: {  	s8 =	sadd.s32 $0xFFFFE003, lr  }
0x1b: {  	s9 =	sadd.s32 $0xFFFFFEF7, lr;
	s5 =	simm.s32 $0xFFFFFFFF;
	p2 =	slt.u32 s8, $0xFFFFF086  }
0x1c: {  	p1 =	slt.u32 s9, $0xF7A;
	s5 =	simm.s32 @!p2 $0x0  }
0x1d: {  	s5 =	simm.s32 @p1 $0x1;
	p0 =	seq.s32 s7, s2  }
0x1e: {  	s7 =	smul.u32 @!p0 $0xF7A, s2;
	p2 =	seq.s32 @!p0 s5, $0x0  }
0x1f: {  	s9 =	smul.u32 $0xF7A, s1;
	s8 =	simm.s32 @!p0 $0x1BF5;
	p2 =	por !p2, p0  }
0x20: {  	[sflag:s8] =	ssyncset.s32 @!p0 $0xFFFFF086;
	s6 =	sadd.s32 @!p0 s3, s7;
	s7 =	simm.s32 @!p0 $0x108  }
0x21: {  	s3 =	sadd.s32 s3, s9;
	s6 =	sadd.s32 @!p0 $0x88, s6;
	s7 =	simm.s32 @p2 $0x1082  }
0x22: {  	[simem:s7], [sflag:s8] =	dma.local @!p0 [hbm:s6], $0xF7A  }
0x23: {  	s9 =	sor.u32 $0xD0000000, s2;
	s6 =	simm.s32 $0x108;
	_ =	swait.ge @!p0 [sflag:s8], $0x0  }
0x24: {  	s3 =	sadd.s32 $0x88, s3;
	s6 =	simm.s32 @!p1 $0x1082;
	[sflag:s4] =	ssyncset.s32 $0xFFFFF086  }
0x25: {  	[simem:s6], [sflag:s4] =	dma.local [hbm:s3], $0xF7A  }
0x26: {  	[smem:$0x3F98] =	sst s1;
	(tag) =	ssettag s2;
	_ =	strace s9  }
0x27: {  	s1 =	sld [smem:$0x3FA8]  }
0x28: {  	s2 =	sld [smem:$0x3FA9]  }
0x29: {  	s4 =	sld [smem:$0x3FAB]  }
0x2a: {  	p0 =	seq.s32 s5, $0x0;
	s5 =	sld [smem:$0x3FAC]  }
0x2b: {  	s6 =	sld [smem:$0x3FAD]  }
0x2c: {  	s7 =	sld [smem:$0x3FAE]  }
0x2d: {  	s3 =	simm.s32 $0x108;
	s8 =	sld [smem:$0x3FAF]  }
0x2e: {  	s3 =	simm.s32 @!p0 $0x1082;
	s9 =	sld [smem:$0x3FB0]  }
0x2f: {  	lr =	sadd.s32 s0, s3;
	s0 =	sld [smem:$0x3FA7]  }
0x30: {  	s3 =	sld [smem:$0x3FAA]  }
0x31: {  	[smem:$0x3FB3] =	sst s10  }
0x32: {  	s10 =	sld [smem:$0x3FB1];
	_ =	sdelay $0x3  }
0x33: {  	p0 =	seq.s32 s10, $0x1;
	s10 =	sld [smem:$0x3FB3];
	_ =	sdelay $0x3  }
0x34: {  	[smem:$0x3FB3] =	sst s10  }
0x35: {  	s10 =	sld [smem:$0x3FB2];
	_ =	sdelay $0x3  }
0x36: {  	p1 =	seq.s32 s10, $0x1;
	s10 =	sld [smem:$0x3FB3];
	_ =	sdelay $0x3  }
0x37: {  	[smem:$0x3FB3] =	sst s10  }
0x38: {  	s10 =	sld [smem:$0x3FB4]  }
0x39: {  	_ = 	snop;
	(pc) =	sbr.ind lr, $3  }
0x3a: {  	_ = 	snop  }
0x3b: {  	_ = 	snop  }
0x3c: {  	p2 =	seq.s32 s10, $0x1;
	s10 =	sld [smem:$0x3FB3]  }
0x3d: {  	_ =	shalt  }
0x3e: {  	_ =	shalt  }
0x3f: {  	_ =	shalt  }
0x40: {  	_ =	shalt  }
0x41: {  	_ =	shalt  }
0x42: {  	_ =	shalt  }
0x43: {  	_ =	shalt  }
0x44: {  	_ =	shalt  }
0x45: {  	_ =	shalt  }
0x46: {  	_ =	shalt  }
0x47: {  	_ =	shalt  }
0x48: {  	_ =	shalt  }
0x49: {  	_ =	shalt  }
0x4a: {  	_ =	shalt  }
0x4b: {  	_ =	shalt  }
0x4c: {  	_ =	shalt  }
0x4d: {  	_ =	shalt  }
0x4e: {  	_ =	shalt  }
0x4f: {  	_ =	shalt  }
0x50: {  	_ =	shalt  }
0x51: {  	_ =	shalt  }
0x52: {  	_ =	shalt  }
0x53: {  	_ =	shalt  }
0x54: {  	_ =	shalt  }
0x55: {  	_ =	shalt  }
0x56: {  	_ =	shalt  }
0x57: {  	_ =	shalt  }
0x58: {  	_ =	shalt  }
0x59: {  	_ =	shalt  }
0x5a: {  	_ =	shalt  }
0x5b: {  	_ =	shalt  }
0x5c: {  	_ =	shalt  }
0x5d: {  	_ =	shalt  }
0x5e: {  	_ =	shalt  }
0x5f: {  	_ =	shalt  }
0x60: {  	_ =	shalt  }
0x61: {  	_ =	shalt  }
0x62: {  	_ =	shalt  }
0x63: {  	_ =	shalt  }
0x64: {  	_ =	shalt  }
0x65: {  	_ =	shalt  }
0x66: {  	_ =	shalt  }
0x67: {  	_ =	shalt  }
0x68: {  	_ =	shalt  }
0x69: {  	_ =	shalt  }
0x6a: {  	_ =	shalt  }
0x6b: {  	_ =	shalt  }
0x6c: {  	_ =	shalt  }
0x6d: {  	_ =	shalt  }
0x6e: {  	_ =	shalt  }
0x6f: {  	_ =	shalt  }
0x70: {  	_ =	shalt  }
0x71: {  	_ =	shalt  }
0x72: {  	_ =	shalt  }
0x73: {  	_ =	shalt  }
0x74: {  	_ =	shalt  }
0x75: {  	_ =	shalt  }
0x76: {  	_ =	shalt  }
0x77: {  	_ =	shalt  }
0x78: {  	_ =	shalt  }
0x79: {  	_ =	shalt  }
0x7a: {  	_ =	shalt  }
0x7b: {  	_ =	shalt  }
0x7c: {  	_ =	shalt  }
0x7d: {  	_ =	shalt  }
0x7e: {  	_ =	shalt  }
0x7f: {  	_ =	shalt  }
0x80: {  	_ =	shalt  }
0x81: {  	_ =	shalt  }
0x82: {  	_ =	shalt  }
0x83: {  	_ =	shalt  }
0x84: {  	_ =	shalt  }
0x85: {  	_ =	shalt  }
0x86: {  	_ =	shalt  }
0x87: {  	_ =	shalt  }
.Lfunc_end0:
.L_simem_size_0:
called_computation_lowered:
.L_overlay_start_0:
0x88: {  	s2 =	sld [smem:$0x3FD9]  }
0x89: {  	s3 =	sld [smem:$0x3FFE];
	_ =	sdelay $0x1  }
0x8a: {  	s1 =	srdreg.scid  }
0x8b: {  	s0 =	sand.u32 $0x1, s1  }
0x8c: {  	s17 =	sshll.u32 s0, $0xA;
	s2 =	sadd.s32 s3, s2  }
0x8d: {  	s2 =	sadd.s32 s2, s17  }
0x8e: {  	[smem:$0x3FBF] =	sst s2  }
0x8f: {  	_ = 	snop  }
0x90: {  	s18 =	sld [smem:$0x3FD0];
	(tm) =	ssettm $0x1  }
0x91: {  	s19 =	sld [smem:$0x3FFB];
	_ =	sdelay $0x3  }
0x92: {  	_ =	strace s19  }
0x93: {  	s2 =	sld [smem:$0x3FFC];
	_ =	sdelay $0x3  }
0x94: {  	_ =	strace s2  }
0x95: {  	s2 =	sld [smem:$0x3FFD];
	_ =	sdelay $0x3  }
0x96: {  	_ =	strace s2  }
0x97: {  	_ =	strace $0x8FFFFFFF  }
0x98: {  	s20 =	sld [smem:$0x3FDB];
	_ =	sdelay $0x1  }
0x99: {  	s4 =	simm.s32 $_scs_section_size  }
0x9a: {  	s5 =	simm.s32 $_size__tile_overlayer_lowered;
	s6 =	simm.s32 $_tile_overlayer_lowered  }
0x9b: {  	s7 =	simm.s32 $0x1BFF;
	s21 =	sshll.u32 s6, $0x1;
	s4 =	sadd.s32 s4, s20  }
0x9c: {  	s22 =	simm.s32 $0x0;
	s5 =	sshll.u32 s5, $0x1;
	s6 =	sadd.s32 s21, s4  }
0x9d: {  	[timem:s22], [sflag:s7] =	dma.local [hbm:s6], s5  }
0x9e: {  	_ =	swait.ge [sflag:s7], s5  }
0x9f: {  	s5 =	ssub.s32 $0x0, s5;
	[sflag:s7] =	ssyncset.done $0x0  }
0xa0: {  	[sflag:s7] =	ssyncadd.s32 s5;
	_ =	sdelay $0x1  }
0xa1: {  	s23 =	simm.s32 $0x1B8B  }
0xa2: {  	_ =	swait.ge [sflag:s23], $0x1  }
0xa3: {  	[sflag:s23] =	ssyncset.done $0x0  }
0xa4: {  	[sflag:s23] =	ssyncadd.s32 $0xFFFFFFFF  }
0xa5: {  	s5 =	sld [smem:$0x0]  }
0xa6: {  	s6 =	sand.u32 $0xFFFFFFFE, s1  }
0xa7: {  	p0 =	sne.s32 s1, s6  }
0xa8: {  	s6 =	sshll.u32 @p0 s6, $0xE  }
0xa9: {  	s6 =	sadd.s32 @p0 $0x11B8D, s6;
	s7 =	sshll.u32 @p0 s5, $0x11  }
0xaa: {  	s6 =	sor.u32 @p0 s7, s6  }
0xab: {  	[sflag:s6] =	ssyncadd.remote.s32 @p0 $0x1;
	_ =	sdelay $0x1  }
0xac: {  	s6 =	simm.s32 @p0 $0x1B8D  }
0xad: {  	_ =	swait.eq @p0 [sflag:s6], $0x1  }
0xae: {  	[sflag:s6] =	ssyncadd.s32 @p0 $0xFFFFFFFF  }
0xaf: {  	s7 =	sshll.u32 @!p0 s1, $0xE  }
0xb0: {  	s7 =	sor.u32 @!p0 $0x4000, s7;
	s6 =	simm.s32 @!p0 $0x1B8D  }
0xb1: {  	s5 =	sshll.u32 @!p0 s5, $0x11;
	s7 =	sadd.s32 @!p0 $0x11B8D, s7;
	_ =	swait.eq @!p0 [sflag:s6], $0x1  }
0xb2: {  	s5 =	sor.u32 @!p0 s5, s7;
	[sflag:s6] =	ssyncadd.s32 @!p0 $0xFFFFFFFF  }
0xb3: {  	s25 =	simm.s32 $0x1B8E;
	s24 =	sld [smem:$0x3FFE];
	[sflag:s5] =	ssyncadd.remote.s32 @!p0 $0x1  }
0xb4: {  	s26 =	simm.s32 $execute0_lowered;
	[smem:$0x3FD2] =	sst s25  }
0xb5: {  	s6 =	sshll.u32 s26, $0x1;
	_ =	strace $0x80000049;
	[dreg:$0x1] =	wrdreg $0xFFFFFFFF  }
0xb6: {  	s28 =	simm.s32 $_size_execute0_lowered;
	s4 =	sadd.s32 s4, s6;
	[dreg:$0x0] =	wrdreg $0x0  }
0xb7: {  	s6 =	sshll.u32 s28, $0x1;
	[dreg:$0x2] =	wrdreg s4  }
0xb8: {  	[dreg:$0x3] =	wrdreg s6  }
0xb9: {  	[dreg:$0x4] =	wrdreg $0xC0  }
0xba: {  	_ =	task [dreg:s22], $0x5FFFF  }
0xbb: {  	[dreg:$0x1] =	wrdreg $0xFFFFFFFF  }
0xbc: {  	[dreg:$0x0] =	wrdreg $0x60  }
0xbd: {  	[dreg:$0x2] =	wrdreg s18  }
0xbe: {  	[dreg:$0x3] =	wrdreg s24  }
0xbf: {  	[dreg:$0x4] =	wrdreg $0x0  }
0xc0: {  	[dreg:$0x5] =	wrdreg $0x9  }
0xc1: {  	_ =	task.clear_ibuf [dreg:s22], $0x6FFFF;
	_ =	strace $0x90000049  }
0xc2: {  	s29 =	simm.s32 $0x9;
	_ =	strace $0x8000004B  }
0xc3: {  	_ =	swait.ge [sflag:s29], $0x1  }
0xc4: {  	[sflag:s29] =	ssyncadd.s32 $0xFFFFFFFF  }
0xc5: {  	_ =	strace $0x9000004B  }
0xc6: {  	_ =	sfence  }
0xc7: {  	s30 =	sld [smem:$0x0];
	_ =	sdelay $0x2  }
0xc8: {  	s31 =	sshll.u32 s1, $0xD;
	s1 =	sshrl.u32 s1, $0x2  }
0xc9: {  	s4 =	sand.u32 $0x4000, s31;
	s1 =	sadd.s32 s1, s30  }
0xca: {  	s0 =	sor.u32 s4, s0;
	s1 =	sshll.u32 s1, $0x11  }
0xcb: {  	s0 =	sor.u32 s1, s0  }
0xcc: {  	s0 =	sadd.s32 $0x8F2B, s0  }
0xcd: {  	[sflag:s0] =	ssyncadd.remote.s32 $0x1  }
0xce: {  	_ =	sfence.sel $0xFFFF  }
0xcf: {  	[dreg:$0x0] =	wrdreg $0xFFFFFFFF;
	(pc) =	sbr.abs _section_cstart, $3  }
0xd0: {  	[dreg:$0x1] =	wrdreg $0xFFFFFFFF  }
0xd1: {  	_ =	task.clear_ibuf [dreg:s22], $0x2FFFF;
	_ =	strace $0x9FFFFFFF  }
0xd2: {  	(tm) =	ssettm $0x7FFFFFFF  }
0xd3: {  	_ =	shalt  }
tec
execute0_lowered:
.L_overlay_start_1:
0x0: {  	(tag) =	ssettag $0x1  }
0x1: {  	s1 =	rddreg [dreg:$0x0]  }
0x2: {  	s0 =	rddreg [dreg:$0x1]  }
0x3: {  	s3 =	rddreg [dreg:$0x2];
	s4 =	simm.s32 $0x0;
	s13 =	stileid.u32  }
0x4: {  	s5 =	srdreg.scid;
	s30 =	simm.s32 $0x40;
	s2 =	smul.u32 $0x13C00, s13  }
0x5: {  	s31 =	simm.s32 $0x13F00;
	s28 =	simm.s32 $0x16100;
	s10 =	smul.u32 $0x4F000, s13  }
0x6: {  	[smem:$0x7FF] =	sst s4;
	s5 =	sand.u32 $0x1, s5;
	s11 =	smul.u32 $0x2800, s13  }
0x7: {  	s6 =	sadd.s32 $0x7D600, s0;
	s9 =	sadd.s32 $0x1E00, s0;
	s21 =	smul.u32 $0x500, s13  }
0x8: {  	s25 =	sshll.u32 s13, $0x6;
	s13 =	simm.s32 $0x5;
	s8 =	smul.u32 $0x13C000, s5  }
0x9: {  	_ =	strace $0x8000004A;
	s23 =	ssub.s32 $0x2, s5;
	s5 =	smul.u32 $0x28000, s5  }
0xa: {  	s16 =	sor.u32 $0x1C0B, s25;
	s7 =	sshrl.u32 s2, $0x3;
	s12 =	sshrl.u32 s23, $0x1  }
0xb: {  	s24 =	sshrl.u32 s10, $0x2;
	s29 =	sshrl.u32 s11, $0x3;
	s10 =	simm.s32 $0x4  }
0xc: {  	[dreg:$0xb] =	wrdreg s16;
	s7 =	sadd.s32 s7, s0;
	s2 =	sadd.s32 s2, s8  }
0xd: {  	s8 =	sadd.s32 s24, s3;
	s5 =	sadd.s32 s11, s5;
	s2 =	sshrl.u32 s2, $0x3  }
0xe: {  	[dreg:$0x9] =	wrdreg s8;
	s7 =	sadd.s32 $0x6E00, s7;
	s26 =	sshrl.u32 s5, $0x3  }
0xf: {  	s19 =	sor.u32 $0x140, s5;
	s20 =	sor.u32 $0x180, s5;
	s25 =	sor.u32 $0x200, s5  }
0x10: {  	s0 =	sadd.s32 s2, s0;
	[dreg:$0xa] =	wrdreg s7;
	s11 =	sadd.s32 s6, s26  }
0x11: {  	s2 =	ssub.s32 s23, s12;
	s12 =	sadd.s32 s9, s29;
	[dreg:$0xc] =	wrdreg s11  }
0x12: {  	s23 =	sor.u32 $0x1C0, s5;
	s14 =	sadd.s32 $0x8, s11;
	[dreg:$0xd] =	wrdreg s12  }
0x13: {  	s5 =	sor.u32 $0x100, s5;
	s15 =	sadd.s32 $0x8, s12;
	[dreg:$0xe] =	wrdreg s14  }
0x14: {  	s17 =	sadd.s32 $0x10, s11;
	s18 =	sadd.s32 $0x10, s12;
	[dreg:$0xf] =	wrdreg s15  }
0x15: {  	s7 =	sadd.s32 $0x18, s11;
	s8 =	sadd.s32 $0x18, s12;
	[dreg:$0x10] =	wrdreg s17  }
0x16: {  	s24 =	sshrl.u32 s23, $0x3;
	s5 =	sshrl.u32 s5, $0x3;
	[dreg:$0x11] =	wrdreg s18  }
0x17: {  	s0 =	sadd.s32 $0x87600, s0;
	s2 =	smax.u32 s2, $0x1;
	[dreg:$0x12] =	wrdreg s7  }
0x18: {  	s11 =	simm.s32 $0x1A100;
	s12 =	simm.s32 $0x6;
	[dreg:$0x13] =	wrdreg s8  }
0x19: {  	s7 =	sshrl.u32 s19, $0x3;
	s8 =	sshrl.u32 s20, $0x3;
	[dreg:$0x14] =	wrdreg s0  }
0x1a: {  	s29 =	sadd.s32 s5, s6;
	[dreg:$0x15] =	wrdreg s2;
	s18 =	sadd.s32 s21, s9  }
0x1b: {  	s19 =	simm.s32 $0xB;
	s5 =	simm.s32 $0x13E00;
	s14 =	simm.s32 $0x1C100  }
0x1c: {  	s15 =	simm.s32 $0x7;
	s7 =	sadd.s32 s7, s6;
	[dreg:$0x8] =	wrdreg s29  }
0x1d: {  	s20 =	simm.s32 $0x9;
	s22 =	sadd.s32 s8, s6;
	[dreg:$0x4] =	wrdreg s7  }
0x1e: {  	s8 =	sshrl.u32 s25, $0x3;
	[dreg:$0x5] =	wrdreg s22;
	s7 =	sadd.s32 s24, s6  }
0x1f: {  	s2 =	simm.s32 $0x0;
	s26 =	sadd.s32 s8, s6;
	[dreg:$0x6] =	wrdreg s7  }
0x20: {  	s6 =	simm.s32 $0x14080;
	s22 =	simm.s32 $0xA;
	[dreg:$0x7] =	wrdreg s26  }
.LBB2_1:
0x21: {  	[dreg:$0x16] =	wrdreg s2  }
0x22: {  	s0 =	rddreg [dreg:$0x9]  }
0x23: {  	s25 =	rddreg [dreg:$0xa];
	s24 =	sshrl.u32 s0, $0x3  }
0x24: {  	[dreg:$0x17] =	wrdreg s24  }
0x25: {  	[spmem:s24], [sflag:s16] =	dma.local [hbm:s25], $0x2780  }
0x26: {  	_ =	swait.ge [sflag:s19], $0x2780  }
0x27: {  	[sflag:s19] =	ssyncset.done $0x0  }
0x28: {  	[sflag:s19] =	ssyncadd.s32 $0xFFFFD880  }
0x29: {  	[bflag:$0x0] =	sbarrier.arrive $0xFFFF  }
0x2a: {  	s7 =	simm.s32 $0x13C00;
	s26 =	rddreg [dreg:$0xc]  }
0x2b: {  	[tilespmem:s7], [sflag:$0x1] =	stream.linear.gather [hbm4b:s26+s4], $0x40, $0x38;
	[tilespmem:$0x1E100] =	vst v63  }
0x2c: {  	s8 =	simm.s32 $0x13E80;
	s29 =	rddreg [dreg:$0xd]  }
0x2d: {  	[tilespmem:s8], [sflag:$0x1] =	stream.linear.gather [hbm4b:s29+s4], $0x40, $0x38;
	[tilespmem:$0x1E100] =	vst v63  }
0x2e: {  	s9 =	simm.s32 $0x13C80;
	s2 =	rddreg [dreg:$0xe]  }
0x2f: {  	[tilespmem:s9], [sflag:$0x2] =	stream.linear.gather [hbm4b:s2+s4], $0x40, $0x38;
	[tilespmem:$0x1E100] =	vst v63  }
0x30: {  	s17 =	simm.s32 $0x13F00;
	s16 =	rddreg [dreg:$0xf]  }
0x31: {  	[tilespmem:s17], [sflag:$0x2] =	stream.linear.gather [hbm4b:s16+s4], $0x40, $0x38;
	[tilespmem:$0x1E100] =	vst v63  }
0x32: {  	s21 =	rddreg [dreg:$0x10];
	s16 =	simm.s32 $0x13D00  }
0x33: {  	[tilespmem:s16], [sflag:$0x3] =	stream.linear.gather [hbm4b:s21+s4], $0x40, $0x38;
	[tilespmem:$0x1E100] =	vst v63  }
0x34: {  	s23 =	rddreg [dreg:$0x11];
	s21 =	simm.s32 $0x13F80  }
0x35: {  	[tilespmem:s21], [sflag:$0x3] =	stream.linear.gather [hbm4b:s23+s4], $0x40, $0x38;
	[tilespmem:$0x1E100] =	vst v63  }
0x36: {  	s24 =	rddreg [dreg:$0x12];
	s21 =	simm.s32 $0x13D80  }
0x37: {  	[tilespmem:s21], [sflag:$0x4] =	stream.linear.gather [hbm4b:s24+s4], $0x40, $0x38;
	[tilespmem:$0x1E100] =	vst v63  }
0x38: {  	s25 =	rddreg [dreg:$0x13];
	s26 =	simm.s32 $0x1;
	s23 =	simm.s32 $0x14000  }
0x39: {  	[tilespmem:s23], [sflag:$0x4] =	stream.linear.gather [hbm4b:s25+s4], $0x40, $0x38;
	[tilespmem:$0x1E100] =	vst v63  }
0x3a: {  	_ =	swait.ge [sflag:s26], $0x40  }
0x3b: {  	[sflag:s26] =	ssyncset.done $0x0  }
0x3c: {  	[sflag:s26] =	ssyncadd.s32 $0xFFFFFFC0  }
0x3d: {  	_ =	swait.ge [sflag:s26], $0x40  }
0x3e: {  	[sflag:s26] =	ssyncset.done $0x0  }
0x3f: {  	s29 =	simm.s32 $0x2;
	s24 =	simm.s32 $0x14100;
	[sflag:s26] =	ssyncadd.s32 $0xFFFFFFC0  }
0x40: {  	[tilespmem:s24], [sflag:$0x6] =	stream.indirect.gather [hbm4b:s1+s30], $0x80, s7, s30, $0xb8;
	[tilespmem:$0x1E100] =	vst v63  }
0x41: {  	_ =	swait.ge [sflag:s29], $0x40  }
0x42: {  	[sflag:s29] =	ssyncset.done $0x0  }
0x43: {  	[sflag:s29] =	ssyncadd.s32 $0xFFFFFFC0  }
0x44: {  	_ =	swait.ge [sflag:s29], $0x40  }
0x45: {  	[sflag:s29] =	ssyncset.done $0x0  }
0x46: {  	s0 =	simm.s32 $0x3;
	s25 =	simm.s32 $0x16100;
	[sflag:s29] =	ssyncadd.s32 $0xFFFFFFC0  }
0x47: {  	[tilespmem:s25], [sflag:$0x7] =	stream.indirect.gather [hbm4b:s1+s30], $0x80, s9, s30, $0xb8;
	[tilespmem:$0x1E100] =	vst v63  }
0x48: {  	_ =	swait.ge [sflag:s0], $0x40  }
0x49: {  	[sflag:s0] =	ssyncset.done $0x0  }
0x4a: {  	[sflag:s0] =	ssyncadd.s32 $0xFFFFFFC0  }
0x4b: {  	_ =	swait.ge [sflag:s0], $0x40  }
0x4c: {  	[sflag:s0] =	ssyncset.done $0x0  }
0x4d: {  	s9 =	simm.s32 $0x18100;
	s7 =	rddreg [dreg:$0x8];
	[sflag:s0] =	ssyncadd.s32 $0xFFFFFFC0  }
0x4e: {  	[tilespmem:s9], [sflag:$0x8] =	stream.indirect.gather [hbm4b:s1+s30], $0x80, s16, s30, $0xb8;
	[tilespmem:$0x1E100] =	vst v63  }
0x4f: {  	s26 =	sadd.s32 $0x0, s18;
	s0 =	sadd.s32 $0x0, s7  }
0x50: {  	[tilespmem:s5], [sflag:$0x5] =	stream.linear.gather [hbm4b:s0+s4], $0x40, $0x38;
	[tilespmem:$0x1E100] =	vst v63  }
0x51: {  	s29 =	sadd.s32 $0x20, s26  }
0x52: {  	[tilespmem:s6], [sflag:$0x5] =	stream.linear.gather [hbm4b:s29+s4], $0x40, $0x38;
	[tilespmem:$0x1E100] =	vst v63  }
0x53: {  	_ =	swait.ge [sflag:s10], $0x40  }
0x54: {  	[sflag:s10] =	ssyncset.done $0x0  }
0x55: {  	[sflag:s10] =	ssyncadd.s32 $0xFFFFFFC0  }
0x56: {  	_ =	swait.ge [sflag:s10], $0x40  }
0x57: {  	[sflag:s10] =	ssyncset.done $0x0  }
0x58: {  	[sflag:s10] =	ssyncadd.s32 $0xFFFFFFC0  }
0x59: {  	[tilespmem:s11], [sflag:$0x9] =	stream.indirect.gather [hbm4b:s1+s30], $0x80, s21, s30, $0xb8;
	[tilespmem:$0x1E100] =	vst v63  }
0x5a: {  	_ =	swait.ge [sflag:s12], $0x2000  }
0x5b: {  	[sflag:s12] =	ssyncset.done $0x0  }
0x5c: {  	p0 =	por $0x0, $0x0;
	[sflag:s12] =	ssyncadd.s32 $0xFFFFE000  }
0x5d: {  	[spmem:s3] =	stream.indirect.scatter.add.f32 [tilespmem:s24], [sflag:$0xB], $0x80, s8, s30, $0xb8;
	[tilespmem:$0x1E100] =	vst v63  }
0x5e: {  	s7 =	sadd.s32 @!p0 $0x0, s18;
	_ =	swait.ge [sflag:s19], $0x2000  }
0x5f: {  	s9 =	simm.s32 @!p0 $0x13C00;
	s8 =	rddreg [dreg:$0x4];
	[sflag:s19] =	ssyncset.done $0x0  }
0x60: {  	s0 =	simm.s32 @!p0 $0x0;
	[sflag:s19] =	ssyncadd.s32 $0xFFFFE000;
	s8 =	sadd.s32 @!p0 $0x0, s8  }
0x61: {  	[tilespmem:s9], [sflag:$0x1] =	stream.linear.gather @!p0 [hbm4b:s8+s0], $0x40, $0x38;
	[tilespmem:$0x1E100] =	vst v63  }
0x62: {  	s16 =	simm.s32 @!p0 $0x13E80;
	s8 =	sadd.s32 @!p0 $0x28, s7  }
0x63: {  	[tilespmem:s16], [sflag:$0x1] =	stream.linear.gather @!p0 [hbm4b:s8+s0], $0x40, $0x38;
	[tilespmem:$0x1E100] =	vst v63  }
0x64: {  	_ =	swait.ge [sflag:s13], $0x40  }
0x65: {  	[sflag:s13] =	ssyncset.done $0x0  }
0x66: {  	[sflag:s13] =	ssyncadd.s32 $0xFFFFFFC0  }
0x67: {  	_ =	swait.ge [sflag:s13], $0x40  }
0x68: {  	[sflag:s13] =	ssyncset.done $0x0  }
0x69: {  	[sflag:s13] =	ssyncadd.s32 $0xFFFFFFC0  }
0x6a: {  	[tilespmem:s14], [sflag:$0xA] =	stream.indirect.gather [hbm4b:s1+s30], $0x80, s5, s30, $0xb8;
	[tilespmem:$0x1E100] =	vst v63  }
0x6b: {  	_ =	swait.ge [sflag:s15], $0x2000  }
0x6c: {  	[sflag:s15] =	ssyncset.done $0x0  }
0x6d: {  	[sflag:s15] =	ssyncadd.s32 $0xFFFFE000  }
0x6e: {  	[spmem:s3] =	stream.indirect.scatter.add.f32 [tilespmem:s25], [sflag:$0xB], $0x80, s17, s30, $0xb8;
	[tilespmem:$0x1E100] =	vst v63  }
0x6f: {  	_ =	swait.ge [sflag:s19], $0x2000  }
0x70: {  	[sflag:s19] =	ssyncset.done $0x0  }
0x71: {  	s8 =	simm.s32 @p0 $0x8;
	[sflag:s19] =	ssyncadd.s32 $0xFFFFE000  }
0x72: {  	_ =	swait.ge @p0 [sflag:s8], $0x2000  }
0x73: {  	s21 =	simm.s32 @p0 $0x13F80;
	s16 =	simm.s32 @p0 $0x18100;
	[sflag:s8] =	ssyncset.done @p0 $0x0  }
0x74: {  	s17 =	simm.s32 @p0 $0x40;
	[sflag:s8] =	ssyncadd.s32 @p0 $0xFFFFE000;
	s8 =	simm.s32 @p0 $0xB  }
0x75: {  	[spmem:s3] =	stream.indirect.scatter.add.f32 @p0 [tilespmem:s16], [sflag:$0xB], $0x80, s21, s17, $0xb8;
	[tilespmem:$0x1E100] =	vst v63  }
0x76: {  	_ =	swait.ge @p0 [sflag:s8], $0x2000  }
0x77: {  	s16 =	rddreg [dreg:$0x5];
	[sflag:s8] =	ssyncset.done @p0 $0x0  }
0x78: {  	[sflag:s8] =	ssyncadd.s32 @p0 $0xFFFFE000;
	s8 =	simm.s32 @!p0 $0x13C80;
	s16 =	sadd.s32 @!p0 $0x0, s16  }
0x79: {  	[tilespmem:s8], [sflag:$0x2] =	stream.linear.gather @!p0 [hbm4b:s16+s0], $0x40, $0x38;
	[tilespmem:$0x1E100] =	vst v63  }
0x7a: {  	s17 =	simm.s32 @!p0 $0x13F00;
	s21 =	simm.s32 @!p0 $0x1;
	s16 =	sadd.s32 @!p0 $0x30, s7  }
0x7b: {  	[tilespmem:s17], [sflag:$0x2] =	stream.linear.gather @!p0 [hbm4b:s16+s0], $0x40, $0x38;
	[tilespmem:$0x1E100] =	vst v63  }
0x7c: {  	_ =	swait.ge @!p0 [sflag:s21], $0x40  }
0x7d: {  	[sflag:s21] =	ssyncset.done @!p0 $0x0  }
0x7e: {  	[sflag:s21] =	ssyncadd.s32 @!p0 $0xFFFFFFC0  }
0x7f: {  	_ =	swait.ge @!p0 [sflag:s21], $0x40  }
0x80: {  	s16 =	simm.s32 @!p0 $0x40;
	[sflag:s21] =	ssyncset.done @!p0 $0x0  }
0x81: {  	s17 =	simm.s32 @!p0 $0x14100;
	[sflag:s21] =	ssyncadd.s32 @!p0 $0xFFFFFFC0;
	s21 =	simm.s32 @!p0 $0x8  }
0x82: {  	[tilespmem:s17], [sflag:$0x6] =	stream.indirect.gather @!p0 [hbm4b:s1+s16], $0x80, s9, s16, $0xb8;
	[tilespmem:$0x1E100] =	vst v63  }
0x83: {  	_ =	swait.ge @!p0 [sflag:s21], $0x2000  }
0x84: {  	s9 =	simm.s32 @!p0 $0x13F80;
	[sflag:s21] =	ssyncset.done @!p0 $0x0  }
0x85: {  	s17 =	simm.s32 @!p0 $0x18100;
	[sflag:s21] =	ssyncadd.s32 @!p0 $0xFFFFE000;
	s21 =	simm.s32 @!p0 $0xB  }
0x86: {  	[spmem:s3] =	stream.indirect.scatter.add.f32 @!p0 [tilespmem:s17], [sflag:$0xB], $0x80, s9, s16, $0xb8;
	[tilespmem:$0x1E100] =	vst v63  }
0x87: {  	_ =	swait.ge @!p0 [sflag:s21], $0x2000  }
0x88: {  	s24 =	rddreg [dreg:$0x6];
	[sflag:s21] =	ssyncset.done @!p0 $0x0  }
0x89: {  	[sflag:s21] =	ssyncadd.s32 @!p0 $0xFFFFE000;
	s21 =	simm.s32 @!p0 $0x13D00;
	s24 =	sadd.s32 @!p0 $0x0, s24  }
0x8a: {  	[tilespmem:s21], [sflag:$0x3] =	stream.linear.gather @!p0 [hbm4b:s24+s0], $0x40, $0x38;
	[tilespmem:$0x1E100] =	vst v63  }
0x8b: {  	s24 =	sadd.s32 @!p0 $0x38, s7  }
0x8c: {  	[tilespmem:s9], [sflag:$0x3] =	stream.linear.gather @!p0 [hbm4b:s24+s0], $0x40, $0x38;
	[tilespmem:$0x1E100] =	vst v63  }
0x8d: {  	s9 =	simm.s32 @!p0 $0x2  }
0x8e: {  	_ =	swait.ge @!p0 [sflag:s9], $0x40  }
0x8f: {  	[sflag:s9] =	ssyncset.done @!p0 $0x0  }
0x90: {  	[sflag:s9] =	ssyncadd.s32 @!p0 $0xFFFFFFC0  }
0x91: {  	_ =	swait.ge @!p0 [sflag:s9], $0x40  }
0x92: {  	[sflag:s9] =	ssyncset.done @!p0 $0x0  }
0x93: {  	[sflag:s9] =	ssyncadd.s32 @!p0 $0xFFFFFFC0;
	s9 =	simm.s32 @!p0 $0x16100  }
0x94: {  	[tilespmem:s9], [sflag:$0x7] =	stream.indirect.gather @!p0 [hbm4b:s1+s16], $0x80, s8, s16, $0xb8;
	[tilespmem:$0x1E100] =	vst v63  }
0x95: {  	_ =	swait.ge [sflag:s20], $0x2000  }
0x96: {  	[sflag:s20] =	ssyncset.done $0x0  }
0x97: {  	[sflag:s20] =	ssyncadd.s32 $0xFFFFE000  }
0x98: {  	[spmem:s3] =	stream.indirect.scatter.add.f32 [tilespmem:s11], [sflag:$0xB], $0x80, s23, s30, $0xb8;
	[tilespmem:$0x1E100] =	vst v63  }
0x99: {  	_ =	swait.ge [sflag:s19], $0x2000  }
0x9a: {  	s8 =	rddreg [dreg:$0x7];
	[sflag:s19] =	ssyncset.done $0x0  }
0x9b: {  	s9 =	simm.s32 @!p0 $0x13D80;
	[sflag:s19] =	ssyncadd.s32 $0xFFFFE000;
	s8 =	sadd.s32 @!p0 $0x0, s8  }
0x9c: {  	[tilespmem:s9], [sflag:$0x4] =	stream.linear.gather @!p0 [hbm4b:s8+s0], $0x40, $0x38;
	[tilespmem:$0x1E100] =	vst v63  }
0x9d: {  	s7 =	sadd.s32 @!p0 $0x40, s7;
	s8 =	simm.s32 @!p0 $0x14000  }
0x9e: {  	[tilespmem:s8], [sflag:$0x4] =	stream.linear.gather @!p0 [hbm4b:s7+s0], $0x40, $0x38;
	[tilespmem:$0x1E100] =	vst v63  }
0x9f: {  	s0 =	simm.s32 @!p0 $0x3  }
0xa0: {  	_ =	swait.ge @!p0 [sflag:s0], $0x40  }
0xa1: {  	[sflag:s0] =	ssyncset.done @!p0 $0x0  }
0xa2: {  	[sflag:s0] =	ssyncadd.s32 @!p0 $0xFFFFFFC0  }
0xa3: {  	_ =	swait.ge @!p0 [sflag:s0], $0x40  }
0xa4: {  	[sflag:s0] =	ssyncset.done @!p0 $0x0  }
0xa5: {  	[sflag:s0] =	ssyncadd.s32 @!p0 $0xFFFFFFC0  }
0xa6: {  	[tilespmem:s17], [sflag:$0x8] =	stream.indirect.gather @!p0 [hbm4b:s1+s16], $0x80, s21, s16, $0xb8;
	[tilespmem:$0x1E100] =	vst v63  }
0xa7: {  	_ =	swait.ge [sflag:s22], $0x2000  }
0xa8: {  	[sflag:s22] =	ssyncset.done $0x0  }
0xa9: {  	s2 =	simm.s32 $0x14100;
	[sflag:s22] =	ssyncadd.s32 $0xFFFFE000  }
0xaa: {  	[spmem:s3] =	stream.indirect.scatter.add.f32 [tilespmem:s14], [sflag:$0xB], $0x80, s6, s30, $0xb8;
	[tilespmem:$0x1E100] =	vst v63  }
0xab: {  	s8 =	simm.s32 $0x50;
	s17 =	simm.s32 $0x28;
	_ =	swait.ge [sflag:s19], $0x2000  }
.LBB2_2:
0xac: {  	s0 =	rddreg [dreg:$0x8];
	[sflag:s19] =	ssyncset.done $0x0  }
0xad: {  	s7 =	sadd.s32 s17, s18;
	[sflag:s19] =	ssyncadd.s32 $0xFFFFE000;
	s0 =	sadd.s32 s17, s0  }
0xae: {  	[tilespmem:s5], [sflag:$0x5] =	stream.linear.gather [hbm4b:s0+s4], $0x40, $0x38;
	[tilespmem:$0x1E100] =	vst v63  }
0xaf: {  	s23 =	sadd.s32 $0x20, s7  }
0xb0: {  	[tilespmem:s6], [sflag:$0x5] =	stream.linear.gather [hbm4b:s23+s4], $0x40, $0x38;
	[tilespmem:$0x1E100] =	vst v63  }
0xb1: {  	_ =	swait.ge [sflag:s10], $0x40  }
0xb2: {  	[sflag:s10] =	ssyncset.done $0x0  }
0xb3: {  	[sflag:s10] =	ssyncadd.s32 $0xFFFFFFC0  }
0xb4: {  	_ =	swait.ge [sflag:s10], $0x40  }
0xb5: {  	[sflag:s10] =	ssyncset.done $0x0  }
0xb6: {  	s24 =	simm.s32 $0x13D80;
	[sflag:s10] =	ssyncadd.s32 $0xFFFFFFC0  }
0xb7: {  	[tilespmem:s11], [sflag:$0x9] =	stream.indirect.gather [hbm4b:s1+s30], $0x80, s24, s30, $0xb8;
	[tilespmem:$0x1E100] =	vst v63  }
0xb8: {  	_ =	swait.ge [sflag:s12], $0x2000  }
0xb9: {  	[sflag:s12] =	ssyncset.done $0x0  }
0xba: {  	s25 =	simm.s32 $0x13E80;
	p1 =	seq.s32 s17, $0x4D8;
	[sflag:s12] =	ssyncadd.s32 $0xFFFFE000  }
0xbb: {  	[spmem:s3] =	stream.indirect.scatter.add.f32 [tilespmem:s2], [sflag:$0xB], $0x80, s25, s30, $0xb8;
	[tilespmem:$0x1E100] =	vst v63  }
0xbc: {  	s7 =	simm.s32 @!p1 $0x0;
	_ =	swait.ge [sflag:s19], $0x2000  }
0xbd: {  	s16 =	sadd.s32 @!p1 s17, s18;
	s0 =	rddreg [dreg:$0x4];
	[sflag:s19] =	ssyncset.done $0x0  }
0xbe: {  	s24 =	simm.s32 @!p1 $0x13C00;
	[sflag:s19] =	ssyncadd.s32 $0xFFFFE000;
	s0 =	sadd.s32 @!p1 s17, s0  }
0xbf: {  	[tilespmem:s24], [sflag:$0x1] =	stream.linear.gather @!p1 [hbm4b:s0+s7], $0x40, $0x38;
	[tilespmem:$0x1E100] =	vst v63  }
0xc0: {  	s29 =	simm.s32 @!p1 $0x13E80;
	s25 =	sadd.s32 @!p1 $0x28, s16  }
0xc1: {  	[tilespmem:s29], [sflag:$0x1] =	stream.linear.gather @!p1 [hbm4b:s25+s7], $0x40, $0x38;
	[tilespmem:$0x1E100] =	vst v63  }
0xc2: {  	_ =	swait.ge [sflag:s13], $0x40  }
0xc3: {  	[sflag:s13] =	ssyncset.done $0x0  }
0xc4: {  	[sflag:s13] =	ssyncadd.s32 $0xFFFFFFC0  }
0xc5: {  	_ =	swait.ge [sflag:s13], $0x40  }
0xc6: {  	[sflag:s13] =	ssyncset.done $0x0  }
0xc7: {  	[sflag:s13] =	ssyncadd.s32 $0xFFFFFFC0  }
0xc8: {  	[tilespmem:s14], [sflag:$0xA] =	stream.indirect.gather [hbm4b:s1+s30], $0x80, s5, s30, $0xb8;
	[tilespmem:$0x1E100] =	vst v63  }
0xc9: {  	_ =	swait.ge [sflag:s15], $0x2000  }
0xca: {  	[sflag:s15] =	ssyncset.done $0x0  }
0xcb: {  	[sflag:s15] =	ssyncadd.s32 $0xFFFFE000  }
0xcc: {  	[spmem:s3] =	stream.indirect.scatter.add.f32 [tilespmem:s28], [sflag:$0xB], $0x80, s31, s30, $0xb8;
	[tilespmem:$0x1E100] =	vst v63  }
0xcd: {  	_ =	swait.ge [sflag:s19], $0x2000  }
0xce: {  	s21 =	sadd.s32 @!p1 $0x30, s16;
	s0 =	sadd.s32 @!p1 $0x38, s16;
	[sflag:s19] =	ssyncset.done $0x0  }
0xcf: {  	s29 =	sadd.s32 @!p1 $0x40, s16;
	s16 =	simm.s32 @p1 $0x8;
	[sflag:s19] =	ssyncadd.s32 $0xFFFFE000  }
0xd0: {  	_ =	swait.ge @p1 [sflag:s16], $0x2000  }
0xd1: {  	s26 =	simm.s32 @p1 $0x13F80;
	s23 =	simm.s32 @p1 $0x40;
	[sflag:s16] =	ssyncset.done @p1 $0x0  }
0xd2: {  	s25 =	simm.s32 @p1 $0x18100;
	[sflag:s16] =	ssyncadd.s32 @p1 $0xFFFFE000;
	s16 =	simm.s32 @p1 $0xB  }
0xd3: {  	[spmem:s3] =	stream.indirect.scatter.add.f32 @p1 [tilespmem:s25], [sflag:$0xB], $0x80, s26, s23, $0xb8;
	[tilespmem:$0x1E100] =	vst v63  }
0xd4: {  	_ =	swait.ge @p1 [sflag:s16], $0x2000  }
0xd5: {  	s23 =	rddreg [dreg:$0x5];
	[sflag:s16] =	ssyncset.done @p1 $0x0  }
0xd6: {  	[sflag:s16] =	ssyncadd.s32 @p1 $0xFFFFE000;
	s16 =	simm.s32 @!p1 $0x13C80;
	s23 =	sadd.s32 @!p1 s17, s23  }
0xd7: {  	[tilespmem:s16], [sflag:$0x2] =	stream.linear.gather @!p1 [hbm4b:s23+s7], $0x40, $0x38;
	[tilespmem:$0x1E100] =	vst v63  }
0xd8: {  	s25 =	simm.s32 @!p1 $0x13F00;
	s23 =	simm.s32 @!p1 $0x1  }
0xd9: {  	[tilespmem:s25], [sflag:$0x2] =	stream.linear.gather @!p1 [hbm4b:s21+s7], $0x40, $0x38;
	[tilespmem:$0x1E100] =	vst v63  }
0xda: {  	_ =	swait.ge @!p1 [sflag:s23], $0x40  }
0xdb: {  	[sflag:s23] =	ssyncset.done @!p1 $0x0  }
0xdc: {  	[sflag:s23] =	ssyncadd.s32 @!p1 $0xFFFFFFC0  }
0xdd: {  	_ =	swait.ge @!p1 [sflag:s23], $0x40  }
0xde: {  	s25 =	simm.s32 @!p1 $0x40;
	[sflag:s23] =	ssyncset.done @!p1 $0x0  }
0xdf: {  	s21 =	simm.s32 @!p1 $0x14100;
	[sflag:s23] =	ssyncadd.s32 @!p1 $0xFFFFFFC0;
	s23 =	simm.s32 @!p1 $0x8  }
0xe0: {  	[tilespmem:s21], [sflag:$0x6] =	stream.indirect.gather @!p1 [hbm4b:s1+s25], $0x80, s24, s25, $0xb8;
	[tilespmem:$0x1E100] =	vst v63  }
0xe1: {  	_ =	swait.ge @!p1 [sflag:s23], $0x2000  }
0xe2: {  	s26 =	simm.s32 @!p1 $0x13F80;
	[sflag:s23] =	ssyncset.done @!p1 $0x0  }
0xe3: {  	s24 =	simm.s32 @!p1 $0x18100;
	s21 =	simm.s32 @!p1 $0xB;
	[sflag:s23] =	ssyncadd.s32 @!p1 $0xFFFFE000  }
0xe4: {  	[spmem:s3] =	stream.indirect.scatter.add.f32 @!p1 [tilespmem:s24], [sflag:$0xB], $0x80, s26, s25, $0xb8;
	[tilespmem:$0x1E100] =	vst v63  }
0xe5: {  	_ =	swait.ge @!p1 [sflag:s21], $0x2000  }
0xe6: {  	s23 =	rddreg [dreg:$0x6];
	[sflag:s21] =	ssyncset.done @!p1 $0x0  }
0xe7: {  	[sflag:s21] =	ssyncadd.s32 @!p1 $0xFFFFE000;
	s21 =	simm.s32 @!p1 $0x13D00;
	s23 =	sadd.s32 @!p1 s17, s23  }
0xe8: {  	[tilespmem:s21], [sflag:$0x3] =	stream.linear.gather @!p1 [hbm4b:s23+s7], $0x40, $0x38;
	[tilespmem:$0x1E100] =	vst v63  }
0xe9: {  	s23 =	simm.s32 @!p1 $0x2  }
0xea: {  	[tilespmem:s26], [sflag:$0x3] =	stream.linear.gather @!p1 [hbm4b:s0+s7], $0x40, $0x38;
	[tilespmem:$0x1E100] =	vst v63  }
0xeb: {  	_ =	swait.ge @!p1 [sflag:s23], $0x40  }
0xec: {  	[sflag:s23] =	ssyncset.done @!p1 $0x0  }
0xed: {  	[sflag:s23] =	ssyncadd.s32 @!p1 $0xFFFFFFC0  }
0xee: {  	_ =	swait.ge @!p1 [sflag:s23], $0x40  }
0xef: {  	[sflag:s23] =	ssyncset.done @!p1 $0x0  }
0xf0: {  	s0 =	simm.s32 @!p1 $0x16100;
	[sflag:s23] =	ssyncadd.s32 @!p1 $0xFFFFFFC0  }
0xf1: {  	[tilespmem:s0], [sflag:$0x7] =	stream.indirect.gather @!p1 [hbm4b:s1+s25], $0x80, s16, s25, $0xb8;
	[tilespmem:$0x1E100] =	vst v63  }
0xf2: {  	_ =	swait.ge [sflag:s20], $0x2000  }
0xf3: {  	[sflag:s20] =	ssyncset.done $0x0  }
0xf4: {  	s26 =	simm.s32 $0x14000;
	[sflag:s20] =	ssyncadd.s32 $0xFFFFE000  }
0xf5: {  	[spmem:s3] =	stream.indirect.scatter.add.f32 [tilespmem:s11], [sflag:$0xB], $0x80, s26, s30, $0xb8;
	[tilespmem:$0x1E100] =	vst v63  }
0xf6: {  	_ =	swait.ge [sflag:s19], $0x2000  }
0xf7: {  	s0 =	rddreg [dreg:$0x7];
	[sflag:s19] =	ssyncset.done $0x0  }
0xf8: {  	s16 =	simm.s32 @!p1 $0x13D80;
	[sflag:s19] =	ssyncadd.s32 $0xFFFFE000;
	s0 =	sadd.s32 @!p1 s17, s0  }
0xf9: {  	[tilespmem:s16], [sflag:$0x4] =	stream.linear.gather @!p1 [hbm4b:s0+s7], $0x40, $0x38;
	[tilespmem:$0x1E100] =	vst v63  }
0xfa: {  	s23 =	simm.s32 @!p1 $0x14000;
	s0 =	simm.s32 @!p1 $0x3  }
0xfb: {  	[tilespmem:s23], [sflag:$0x4] =	stream.linear.gather @!p1 [hbm4b:s29+s7], $0x40, $0x38;
	[tilespmem:$0x1E100] =	vst v63  }
0xfc: {  	_ =	swait.ge @!p1 [sflag:s0], $0x40  }
0xfd: {  	[sflag:s0] =	ssyncset.done @!p1 $0x0  }
0xfe: {  	[sflag:s0] =	ssyncadd.s32 @!p1 $0xFFFFFFC0  }
0xff: {  	_ =	swait.ge @!p1 [sflag:s0], $0x40  }
0x100: {  	s9 =	smov.u32 s8;
	s8 =	sadd.s32 $0x28, s8;
	[sflag:s0] =	ssyncset.done @!p1 $0x0  }
0x101: {  	p0 =	sne.s32 s8, $0x500;
	[sflag:s0] =	ssyncadd.s32 @!p1 $0xFFFFFFC0  }
0x102: {  	[tilespmem:s24], [sflag:$0x8] =	stream.indirect.gather @!p1 [hbm4b:s1+s25], $0x80, s21, s25, $0xb8;
	[tilespmem:$0x1E100] =	vst v63  }
.Ltmp0:
0x103: {  	_ =	swait.ge [sflag:s22], $0x2000;
	(pc) =	sbr.rel @p0 .LBB2_2-.Ltmp0, $4  }
0x104: {  	[sflag:s22] =	ssyncset.done $0x0  }
0x105: {  	[sflag:s22] =	ssyncadd.s32 $0xFFFFE000  }
0x106: {  	[spmem:s3] =	stream.indirect.scatter.add.f32 [tilespmem:s14], [sflag:$0xB], $0x80, s6, s30, $0xb8;
	[tilespmem:$0x1E100] =	vst v63  }
0x107: {  	s17 =	smov.u32 s9;
	_ =	swait.ge [sflag:s19], $0x2000  }
0x108: {  	s0 =	rddreg [dreg:$0x8];
	[sflag:s19] =	ssyncset.done $0x0  }
0x109: {  	s7 =	sadd.s32 s17, s18;
	[sflag:s19] =	ssyncadd.s32 $0xFFFFE000;
	s0 =	sadd.s32 s17, s0  }
0x10a: {  	[tilespmem:s5], [sflag:$0x5] =	stream.linear.gather [hbm4b:s0+s4], $0x40, $0x38;
	[tilespmem:$0x1E100] =	vst v63  }
0x10b: {  	s29 =	sadd.s32 $0x20, s7  }
0x10c: {  	[tilespmem:s6], [sflag:$0x5] =	stream.linear.gather [hbm4b:s29+s4], $0x40, $0x38;
	[tilespmem:$0x1E100] =	vst v63  }
0x10d: {  	_ =	swait.ge [sflag:s10], $0x40  }
0x10e: {  	[sflag:s10] =	ssyncset.done $0x0  }
0x10f: {  	[sflag:s10] =	ssyncadd.s32 $0xFFFFFFC0  }
0x110: {  	_ =	swait.ge [sflag:s10], $0x40  }
0x111: {  	[sflag:s10] =	ssyncset.done $0x0  }
0x112: {  	s7 =	simm.s32 $0x13D80;
	[sflag:s10] =	ssyncadd.s32 $0xFFFFFFC0  }
0x113: {  	[tilespmem:s11], [sflag:$0x9] =	stream.indirect.gather [hbm4b:s1+s30], $0x80, s7, s30, $0xb8;
	[tilespmem:$0x1E100] =	vst v63  }
0x114: {  	_ =	swait.ge [sflag:s12], $0x2000  }
0x115: {  	[sflag:s12] =	ssyncset.done $0x0  }
0x116: {  	s8 =	simm.s32 $0x13E80;
	p0 =	seq.s32 s17, $0x4D8;
	[sflag:s12] =	ssyncadd.s32 $0xFFFFE000  }
0x117: {  	[spmem:s3] =	stream.indirect.scatter.add.f32 [tilespmem:s2], [sflag:$0xB], $0x80, s8, s30, $0xb8;
	[tilespmem:$0x1E100] =	vst v63  }
0x118: {  	s9 =	simm.s32 @!p0 $0x13C00;
	_ =	swait.ge [sflag:s19], $0x2000  }
0x119: {  	s0 =	simm.s32 @!p0 $0x0;
	s8 =	rddreg [dreg:$0x4];
	[sflag:s19] =	ssyncset.done $0x0  }
0x11a: {  	s7 =	sadd.s32 @!p0 s17, s18;
	[sflag:s19] =	ssyncadd.s32 $0xFFFFE000;
	s8 =	sadd.s32 @!p0 s17, s8  }
0x11b: {  	[tilespmem:s9], [sflag:$0x1] =	stream.linear.gather @!p0 [hbm4b:s8+s0], $0x40, $0x38;
	[tilespmem:$0x1E100] =	vst v63  }
0x11c: {  	s16 =	simm.s32 @!p0 $0x13E80;
	s8 =	sadd.s32 @!p0 $0x28, s7  }
0x11d: {  	[tilespmem:s16], [sflag:$0x1] =	stream.linear.gather @!p0 [hbm4b:s8+s0], $0x40, $0x38;
	[tilespmem:$0x1E100] =	vst v63  }
0x11e: {  	_ =	swait.ge [sflag:s13], $0x40  }
0x11f: {  	[sflag:s13] =	ssyncset.done $0x0  }
0x120: {  	[sflag:s13] =	ssyncadd.s32 $0xFFFFFFC0  }
0x121: {  	_ =	swait.ge [sflag:s13], $0x40  }
0x122: {  	[sflag:s13] =	ssyncset.done $0x0  }
0x123: {  	[sflag:s13] =	ssyncadd.s32 $0xFFFFFFC0  }
0x124: {  	[tilespmem:s14], [sflag:$0xA] =	stream.indirect.gather [hbm4b:s1+s30], $0x80, s5, s30, $0xb8;
	[tilespmem:$0x1E100] =	vst v63  }
0x125: {  	_ =	swait.ge [sflag:s15], $0x2000  }
0x126: {  	[sflag:s15] =	ssyncset.done $0x0  }
0x127: {  	[sflag:s15] =	ssyncadd.s32 $0xFFFFE000  }
0x128: {  	[spmem:s3] =	stream.indirect.scatter.add.f32 [tilespmem:s28], [sflag:$0xB], $0x80, s31, s30, $0xb8;
	[tilespmem:$0x1E100] =	vst v63  }
0x129: {  	_ =	swait.ge [sflag:s19], $0x2000  }
0x12a: {  	[sflag:s19] =	ssyncset.done $0x0  }
0x12b: {  	s8 =	simm.s32 @p0 $0x8;
	[sflag:s19] =	ssyncadd.s32 $0xFFFFE000  }
0x12c: {  	_ =	swait.ge @p0 [sflag:s8], $0x2000  }
0x12d: {  	s21 =	simm.s32 @p0 $0x40;
	s23 =	simm.s32 @p0 $0x13F80;
	[sflag:s8] =	ssyncset.done @p0 $0x0  }
0x12e: {  	s16 =	simm.s32 @p0 $0x18100;
	[sflag:s8] =	ssyncadd.s32 @p0 $0xFFFFE000;
	s8 =	simm.s32 @p0 $0xB  }
0x12f: {  	[spmem:s3] =	stream.indirect.scatter.add.f32 @p0 [tilespmem:s16], [sflag:$0xB], $0x80, s23, s21, $0xb8;
	[tilespmem:$0x1E100] =	vst v63  }
0x130: {  	_ =	swait.ge @p0 [sflag:s8], $0x2000  }
0x131: {  	s16 =	rddreg [dreg:$0x5];
	[sflag:s8] =	ssyncset.done @p0 $0x0  }
0x132: {  	[sflag:s8] =	ssyncadd.s32 @p0 $0xFFFFE000;
	s8 =	simm.s32 @!p0 $0x13C80;
	s16 =	sadd.s32 @!p0 s17, s16  }
0x133: {  	[tilespmem:s8], [sflag:$0x2] =	stream.linear.gather @!p0 [hbm4b:s16+s0], $0x40, $0x38;
	[tilespmem:$0x1E100] =	vst v63  }
0x134: {  	s21 =	simm.s32 @!p0 $0x13F00;
	s23 =	simm.s32 @!p0 $0x1;
	s16 =	sadd.s32 @!p0 $0x30, s7  }
0x135: {  	[tilespmem:s21], [sflag:$0x2] =	stream.linear.gather @!p0 [hbm4b:s16+s0], $0x40, $0x38;
	[tilespmem:$0x1E100] =	vst v63  }
0x136: {  	_ =	swait.ge @!p0 [sflag:s23], $0x40  }
0x137: {  	[sflag:s23] =	ssyncset.done @!p0 $0x0  }
0x138: {  	[sflag:s23] =	ssyncadd.s32 @!p0 $0xFFFFFFC0  }
0x139: {  	_ =	swait.ge @!p0 [sflag:s23], $0x40  }
0x13a: {  	s16 =	simm.s32 @!p0 $0x40;
	[sflag:s23] =	ssyncset.done @!p0 $0x0  }
0x13b: {  	s21 =	simm.s32 @!p0 $0x14100;
	[sflag:s23] =	ssyncadd.s32 @!p0 $0xFFFFFFC0;
	s23 =	simm.s32 @!p0 $0x8  }
0x13c: {  	[tilespmem:s21], [sflag:$0x6] =	stream.indirect.gather @!p0 [hbm4b:s1+s16], $0x80, s9, s16, $0xb8;
	[tilespmem:$0x1E100] =	vst v63  }
0x13d: {  	_ =	swait.ge @!p0 [sflag:s23], $0x2000  }
0x13e: {  	s9 =	simm.s32 @!p0 $0x13F80;
	[sflag:s23] =	ssyncset.done @!p0 $0x0  }
0x13f: {  	s21 =	simm.s32 @!p0 $0x18100;
	[sflag:s23] =	ssyncadd.s32 @!p0 $0xFFFFE000;
	s23 =	simm.s32 @!p0 $0xB  }
0x140: {  	[spmem:s3] =	stream.indirect.scatter.add.f32 @!p0 [tilespmem:s21], [sflag:$0xB], $0x80, s9, s16, $0xb8;
	[tilespmem:$0x1E100] =	vst v63  }
0x141: {  	_ =	swait.ge @!p0 [sflag:s23], $0x2000  }
0x142: {  	s24 =	rddreg [dreg:$0x6];
	[sflag:s23] =	ssyncset.done @!p0 $0x0  }
0x143: {  	[sflag:s23] =	ssyncadd.s32 @!p0 $0xFFFFE000;
	s23 =	simm.s32 @!p0 $0x13D00;
	s24 =	sadd.s32 @!p0 s17, s24  }
0x144: {  	[tilespmem:s23], [sflag:$0x3] =	stream.linear.gather @!p0 [hbm4b:s24+s0], $0x40, $0x38;
	[tilespmem:$0x1E100] =	vst v63  }
0x145: {  	s24 =	sadd.s32 @!p0 $0x38, s7  }
0x146: {  	[tilespmem:s9], [sflag:$0x3] =	stream.linear.gather @!p0 [hbm4b:s24+s0], $0x40, $0x38;
	[tilespmem:$0x1E100] =	vst v63  }
0x147: {  	s9 =	simm.s32 @!p0 $0x2  }
0x148: {  	_ =	swait.ge @!p0 [sflag:s9], $0x40  }
0x149: {  	[sflag:s9] =	ssyncset.done @!p0 $0x0  }
0x14a: {  	[sflag:s9] =	ssyncadd.s32 @!p0 $0xFFFFFFC0  }
0x14b: {  	_ =	swait.ge @!p0 [sflag:s9], $0x40  }
0x14c: {  	[sflag:s9] =	ssyncset.done @!p0 $0x0  }
0x14d: {  	[sflag:s9] =	ssyncadd.s32 @!p0 $0xFFFFFFC0;
	s9 =	simm.s32 @!p0 $0x16100  }
0x14e: {  	[tilespmem:s9], [sflag:$0x7] =	stream.indirect.gather @!p0 [hbm4b:s1+s16], $0x80, s8, s16, $0xb8;
	[tilespmem:$0x1E100] =	vst v63  }
0x14f: {  	_ =	swait.ge [sflag:s20], $0x2000  }
0x150: {  	[sflag:s20] =	ssyncset.done $0x0  }
0x151: {  	s9 =	simm.s32 $0x14000;
	[sflag:s20] =	ssyncadd.s32 $0xFFFFE000  }
0x152: {  	[spmem:s3] =	stream.indirect.scatter.add.f32 [tilespmem:s11], [sflag:$0xB], $0x80, s9, s30, $0xb8;
	[tilespmem:$0x1E100] =	vst v63  }
0x153: {  	_ =	swait.ge [sflag:s19], $0x2000  }
0x154: {  	s8 =	rddreg [dreg:$0x7];
	[sflag:s19] =	ssyncset.done $0x0  }
0x155: {  	s9 =	simm.s32 @!p0 $0x13D80;
	[sflag:s19] =	ssyncadd.s32 $0xFFFFE000;
	s8 =	sadd.s32 @!p0 s17, s8  }
0x156: {  	[tilespmem:s9], [sflag:$0x4] =	stream.linear.gather @!p0 [hbm4b:s8+s0], $0x40, $0x38;
	[tilespmem:$0x1E100] =	vst v63  }
0x157: {  	s7 =	sadd.s32 @!p0 $0x40, s7;
	s8 =	simm.s32 @!p0 $0x14000  }
0x158: {  	[tilespmem:s8], [sflag:$0x4] =	stream.linear.gather @!p0 [hbm4b:s7+s0], $0x40, $0x38;
	[tilespmem:$0x1E100] =	vst v63  }
0x159: {  	s0 =	simm.s32 @!p0 $0x3  }
0x15a: {  	_ =	swait.ge @!p0 [sflag:s0], $0x40  }
0x15b: {  	[sflag:s0] =	ssyncset.done @!p0 $0x0  }
0x15c: {  	[sflag:s0] =	ssyncadd.s32 @!p0 $0xFFFFFFC0  }
0x15d: {  	_ =	swait.ge @!p0 [sflag:s0], $0x40  }
0x15e: {  	[sflag:s0] =	ssyncset.done @!p0 $0x0  }
0x15f: {  	[sflag:s0] =	ssyncadd.s32 @!p0 $0xFFFFFFC0  }
0x160: {  	[tilespmem:s21], [sflag:$0x8] =	stream.indirect.gather @!p0 [hbm4b:s1+s16], $0x80, s23, s16, $0xb8;
	[tilespmem:$0x1E100] =	vst v63  }
0x161: {  	_ =	swait.ge [sflag:s22], $0x2000  }
0x162: {  	[sflag:s22] =	ssyncset.done $0x0  }
0x163: {  	[sflag:s22] =	ssyncadd.s32 $0xFFFFE000  }
0x164: {  	[spmem:s3] =	stream.indirect.scatter.add.f32 [tilespmem:s14], [sflag:$0xB], $0x80, s6, s30, $0xb8;
	[tilespmem:$0x1E100] =	vst v63  }
0x165: {  	_ =	swait.ge [sflag:s19], $0x2000  }
0x166: {  	[sflag:s19] =	ssyncset.done $0x0  }
0x167: {  	[sflag:s19] =	ssyncadd.s32 $0xFFFFE000  }
0x168: {  	[bflag:$0x0] =	sbarrier.arrive $0xFFFF  }
0x169: {  	s16 =	rddreg [dreg:$0xb]  }
0x16a: {  	s24 =	rddreg [dreg:$0x14]  }
0x16b: {  	s25 =	rddreg [dreg:$0x17]  }
0x16c: {  	[hbm:s24], [sflag:s16] =	dma.local [spmem:s25], $0x2780  }
0x16d: {  	_ =	swait.ge [sflag:s19], $0x2780  }
0x16e: {  	s26 =	rddreg [dreg:$0x16]  }
0x16f: {  	s29 =	rddreg [dreg:$0x15];
	s2 =	sadd.s32 $0x1, s26  }
0x170: {  	p0 =	sne.s32 s2, s29  }
.Ltmp1:
0x171: {  	_ = 	snop;
	(pc) =	sbr.rel @p0 .LBB2_1-.Ltmp1, $3  }
0x172: {  	_ =	sdelay $0x1  }
0x173: {  	[sflag:s19] =	ssyncset.done $0x0  }
0x174: {  	[sflag:s19] =	ssyncadd.s32 $0xFFFFD880  }
0x175: {  	_ =	sfence.sel $0x180000  }
0x176: {  	[bflag:$0x0] =	sbarrier.arrive $0xFFFF  }
0x177: {  	_ =	strace $0x9000004A  }
0x178: {  	s0 =	stileid.u32;
	[bflag:$0x2] =	sbarrier.arrive $0xFFFF  }
0x179: {  	p0 =	sne.s32 s0, $0x0;
	s0 =	rddreg [dreg:$0x3]  }
0x17a: {  	s0 =	sadd.s32 @!p0 $0x100000, s0  }
0x17b: {  	[sflag:s0] =	ssyncadd.tile.s32 @!p0 $0x1;
	_ =	shalt  }
.Lfunc_end2:
_tile_overlayer_lowered:
.L_overlay_start_2:
0x17c: {  	(tag) =	ssettag $0x2  }
0x17d: {  	s0 =	rddreg [dreg:$0x0];
	s2 =	stileid.u32  }
0x17e: {  	s1 =	rddreg [dreg:$0x1];
	p0 =	sne.s32 s2, $0x0  }
0x17f: {  	s3 =	rddreg [dreg:$0x2];
	[bflag:$0x3] =	sbarrier.arrive $0xFFFF;
	s2 =	simm.s32 @!p0 $0x1C0B  }
0x180: {  	[timem:s3], [sflag:s2] =	dma.local @!p0 [hbm:s0], s1  }
0x181: {  	s0 =	simm.s32 @!p0 $0xB  }
0x182: {  	_ =	swait.ge @!p0 [sflag:s0], s1  }
0x183: {  	s1 =	ssub.s32 @!p0 $0x0, s1;
	[sflag:s0] =	ssyncset.done @!p0 $0x0  }
0x184: {  	[sflag:s0] =	ssyncadd.s32 @!p0 s1  }
0x185: {  	[bflag:$0x3] =	sbarrier.arrive $0xFFFF  }
0x186: {  	_ =	shalt  }

// kernel: kernel.8.cloned.1.call-start
scs
__scs_entry_jumppad:
0x0: {  	(pc) =	sbr.rel $0x88, $3  }
0x1: {  	(tag) =	ssettag $0x0;
	lr =	simm.s32 $0x1  }
0x2: {  	[smem:$0x3F98] =	sst lr;
	_ =	strace $0xD0000000  }
0x3: {  	_ = 	snop  }
0x4: {  	_ = 	snop  }
0x5: {  	_ = 	snop  }
0x6: {  	_ = 	snop  }
0x7: {  	_ = 	snop  }
__scs_overlays_trampoline_lowered:
0x8: {  	[smem:$0x3FA7] =	sst s0  }
0x9: {  	[smem:$0x3FA8] =	sst s1  }
0xa: {  	[smem:$0x3FA9] =	sst s2  }
0xb: {  	[smem:$0x3FAA] =	sst s3  }
0xc: {  	[smem:$0x3FAB] =	sst s4  }
0xd: {  	[smem:$0x3FAC] =	sst s5  }
0xe: {  	[smem:$0x3FAD] =	sst s6  }
0xf: {  	[smem:$0x3FAE] =	sst s7  }
0x10: {  	[smem:$0x3FAF] =	sst s8  }
0x11: {  	[smem:$0x3FB0] =	sst s9;
	s0 =	simm.s32 @!p0 $0x0  }
0x12: {  	s1 =	sld [smem:$0x3F96];
	s0 =	simm.s32 @p0 $0x1  }
0x13: {  	[smem:$0x3FB1] =	sst s0;
	s0 =	simm.s32 @!p1 $0x0  }
0x14: {  	s2 =	sld [smem:$0x3F95];
	s0 =	simm.s32 @p1 $0x1  }
0x15: {  	[smem:$0x3FB2] =	sst s0;
	s0 =	simm.s32 @!p2 $0x0  }
0x16: {  	s3 =	sld [smem:$0x3FDB];
	s0 =	simm.s32 @p2 $0x1  }
0x17: {  	s4 =	simm.s32 $0x1BF5;
	[smem:$0x3FB4] =	sst s0  }
0x18: {  	s0 =	sld [smem:$0x3F97];
	_ =	swait.ge [sflag:s4], $0x0  }
0x19: {  	s7 =	sld [smem:$0x3F98]  }
0x1a: {  	s8 =	sadd.s32 $0xFFFFE003, lr  }
0x1b: {  	s9 =	sadd.s32 $0xFFFFFEF7, lr;
	s5 =	simm.s32 $0xFFFFFFFF;
	p2 =	slt.u32 s8, $0xFFFFF086  }
0x1c: {  	p1 =	slt.u32 s9, $0xF7A;
	s5 =	simm.s32 @!p2 $0x0  }
0x1d: {  	s5 =	simm.s32 @p1 $0x1;
	p0 =	seq.s32 s7, s2  }
0x1e: {  	s7 =	smul.u32 @!p0 $0xF7A, s2;
	p2 =	seq.s32 @!p0 s5, $0x0  }
0x1f: {  	s9 =	smul.u32 $0xF7A, s1;
	s8 =	simm.s32 @!p0 $0x1BF5;
	p2 =	por !p2, p0  }
0x20: {  	[sflag:s8] =	ssyncset.s32 @!p0 $0xFFFFF086;
	s6 =	sadd.s32 @!p0 s3, s7;
	s7 =	simm.s32 @!p0 $0x108  }
0x21: {  	s3 =	sadd.s32 s3, s9;
	s6 =	sadd.s32 @!p0 $0x88, s6;
	s7 =	simm.s32 @p2 $0x1082  }
0x22: {  	[simem:s7], [sflag:s8] =	dma.local @!p0 [hbm:s6], $0xF7A  }
0x23: {  	s9 =	sor.u32 $0xD0000000, s2;
	s6 =	simm.s32 $0x108;
	_ =	swait.ge @!p0 [sflag:s8], $0x0  }
0x24: {  	s3 =	sadd.s32 $0x88, s3;
	s6 =	simm.s32 @!p1 $0x1082;
	[sflag:s4] =	ssyncset.s32 $0xFFFFF086  }
0x25: {  	[simem:s6], [sflag:s4] =	dma.local [hbm:s3], $0xF7A  }
0x26: {  	[smem:$0x3F98] =	sst s1;
	(tag) =	ssettag s2;
	_ =	strace s9  }
0x27: {  	s1 =	sld [smem:$0x3FA8]  }
0x28: {  	s2 =	sld [smem:$0x3FA9]  }
0x29: {  	s4 =	sld [smem:$0x3FAB]  }
0x2a: {  	p0 =	seq.s32 s5, $0x0;
	s5 =	sld [smem:$0x3FAC]  }
0x2b: {  	s6 =	sld [smem:$0x3FAD]  }
0x2c: {  	s7 =	sld [smem:$0x3FAE]  }
0x2d: {  	s3 =	simm.s32 $0x108;
	s8 =	sld [smem:$0x3FAF]  }
0x2e: {  	s3 =	simm.s32 @!p0 $0x1082;
	s9 =	sld [smem:$0x3FB0]  }
0x2f: {  	lr =	sadd.s32 s0, s3;
	s0 =	sld [smem:$0x3FA7]  }
0x30: {  	s3 =	sld [smem:$0x3FAA]  }
0x31: {  	[smem:$0x3FB3] =	sst s10  }
0x32: {  	s10 =	sld [smem:$0x3FB1];
	_ =	sdelay $0x3  }
0x33: {  	p0 =	seq.s32 s10, $0x1;
	s10 =	sld [smem:$0x3FB3];
	_ =	sdelay $0x3  }
0x34: {  	[smem:$0x3FB3] =	sst s10  }
0x35: {  	s10 =	sld [smem:$0x3FB2];
	_ =	sdelay $0x3  }
0x36: {  	p1 =	seq.s32 s10, $0x1;
	s10 =	sld [smem:$0x3FB3];
	_ =	sdelay $0x3  }
0x37: {  	[smem:$0x3FB3] =	sst s10  }
0x38: {  	s10 =	sld [smem:$0x3FB4]  }
0x39: {  	_ = 	snop;
	(pc) =	sbr.ind lr, $3  }
0x3a: {  	_ = 	snop  }
0x3b: {  	_ = 	snop  }
0x3c: {  	p2 =	seq.s32 s10, $0x1;
	s10 =	sld [smem:$0x3FB3]  }
0x3d: {  	_ =	shalt  }
0x3e: {  	_ =	shalt  }
0x3f: {  	_ =	shalt  }
0x40: {  	_ =	shalt  }
0x41: {  	_ =	shalt  }
0x42: {  	_ =	shalt  }
0x43: {  	_ =	shalt  }
0x44: {  	_ =	shalt  }
0x45: {  	_ =	shalt  }
0x46: {  	_ =	shalt  }
0x47: {  	_ =	shalt  }
0x48: {  	_ =	shalt  }
0x49: {  	_ =	shalt  }
0x4a: {  	_ =	shalt  }
0x4b: {  	_ =	shalt  }
0x4c: {  	_ =	shalt  }
0x4d: {  	_ =	shalt  }
0x4e: {  	_ =	shalt  }
0x4f: {  	_ =	shalt  }
0x50: {  	_ =	shalt  }
0x51: {  	_ =	shalt  }
0x52: {  	_ =	shalt  }
0x53: {  	_ =	shalt  }
0x54: {  	_ =	shalt  }
0x55: {  	_ =	shalt  }
0x56: {  	_ =	shalt  }
0x57: {  	_ =	shalt  }
0x58: {  	_ =	shalt  }
0x59: {  	_ =	shalt  }
0x5a: {  	_ =	shalt  }
0x5b: {  	_ =	shalt  }
0x5c: {  	_ =	shalt  }
0x5d: {  	_ =	shalt  }
0x5e: {  	_ =	shalt  }
0x5f: {  	_ =	shalt  }
0x60: {  	_ =	shalt  }
0x61: {  	_ =	shalt  }
0x62: {  	_ =	shalt  }
0x63: {  	_ =	shalt  }
0x64: {  	_ =	shalt  }
0x65: {  	_ =	shalt  }
0x66: {  	_ =	shalt  }
0x67: {  	_ =	shalt  }
0x68: {  	_ =	shalt  }
0x69: {  	_ =	shalt  }
0x6a: {  	_ =	shalt  }
0x6b: {  	_ =	shalt  }
0x6c: {  	_ =	shalt  }
0x6d: {  	_ =	shalt  }
0x6e: {  	_ =	shalt  }
0x6f: {  	_ =	shalt  }
0x70: {  	_ =	shalt  }
0x71: {  	_ =	shalt  }
0x72: {  	_ =	shalt  }
0x73: {  	_ =	shalt  }
0x74: {  	_ =	shalt  }
0x75: {  	_ =	shalt  }
0x76: {  	_ =	shalt  }
0x77: {  	_ =	shalt  }
0x78: {  	_ =	shalt  }
0x79: {  	_ =	shalt  }
0x7a: {  	_ =	shalt  }
0x7b: {  	_ =	shalt  }
0x7c: {  	_ =	shalt  }
0x7d: {  	_ =	shalt  }
0x7e: {  	_ =	shalt  }
0x7f: {  	_ =	shalt  }
0x80: {  	_ =	shalt  }
0x81: {  	_ =	shalt  }
0x82: {  	_ =	shalt  }
0x83: {  	_ =	shalt  }
0x84: {  	_ =	shalt  }
0x85: {  	_ =	shalt  }
0x86: {  	_ =	shalt  }
0x87: {  	_ =	shalt  }
.Lfunc_end0:
.L_simem_size_0:
called_computation.1_lowered:
.L_overlay_start_0:
0x88: {  	s2 =	sld [smem:$0x3FD9]  }
0x89: {  	s3 =	sld [smem:$0x3FFE];
	_ =	sdelay $0x1  }
0x8a: {  	s1 =	srdreg.scid  }
0x8b: {  	s0 =	sand.u32 $0x1, s1  }
0x8c: {  	s16 =	sshll.u32 s0, $0xA;
	s2 =	sadd.s32 s3, s2  }
0x8d: {  	s2 =	sadd.s32 s2, s16  }
0x8e: {  	[smem:$0x3FBF] =	sst s2  }
0x8f: {  	_ = 	snop  }
0x90: {  	(tm) =	ssettm $0x1  }
0x91: {  	s17 =	sld [smem:$0x3FFB];
	_ =	sdelay $0x3  }
0x92: {  	_ =	strace s17  }
0x93: {  	s2 =	sld [smem:$0x3FFC];
	_ =	sdelay $0x3  }
0x94: {  	_ =	strace s2  }
0x95: {  	s2 =	sld [smem:$0x3FFD];
	_ =	sdelay $0x3  }
0x96: {  	_ =	strace s2  }
0x97: {  	_ =	strace $0x8FFFFFFF  }
0x98: {  	s18 =	sld [smem:$0x3FDB];
	_ =	sdelay $0x1  }
0x99: {  	s19 =	simm.s32 $_scs_section_size  }
0x9a: {  	s4 =	simm.s32 $_size__tile_overlayer_lowered;
	s5 =	simm.s32 $_tile_overlayer_lowered  }
0x9b: {  	s22 =	simm.s32 $0x1BFF;
	s21 =	sshll.u32 s5, $0x1;
	s2 =	sadd.s32 s19, s18  }
0x9c: {  	s6 =	simm.s32 $0x0;
	s20 =	sshll.u32 s4, $0x1;
	s4 =	sadd.s32 s21, s2  }
0x9d: {  	[timem:s6], [sflag:s22] =	dma.local [hbm:s4], s20  }
0x9e: {  	_ =	swait.ge [sflag:s22], s20  }
0x9f: {  	s3 =	ssub.s32 $0x0, s20;
	[sflag:s22] =	ssyncset.done $0x0  }
0xa0: {  	[sflag:s22] =	ssyncadd.s32 s3;
	_ =	sdelay $0x1  }
0xa1: {  	s23 =	simm.s32 $0x1B8B  }
0xa2: {  	_ =	swait.ge [sflag:s23], $0x1  }
0xa3: {  	[sflag:s23] =	ssyncset.done $0x0  }
0xa4: {  	s25 =	simm.s32 $0x1B8E;
	s24 =	sld [smem:$0x3FFE];
	[sflag:s23] =	ssyncadd.s32 $0xFFFFFFFF  }
0xa5: {  	s26 =	simm.s32 $execute0_lowered;
	[smem:$0x3FD2] =	sst s25  }
0xa6: {  	s4 =	sshll.u32 s26, $0x1;
	_ =	strace $0x80000046;
	[dreg:$0x1] =	wrdreg $0xFFFFFFFF  }
0xa7: {  	s28 =	simm.s32 $_size_execute0_lowered;
	s2 =	sadd.s32 s2, s4;
	[dreg:$0x0] =	wrdreg $0x0  }
0xa8: {  	s4 =	sshll.u32 s28, $0x1;
	[dreg:$0x2] =	wrdreg s2  }
0xa9: {  	[dreg:$0x3] =	wrdreg s4  }
0xaa: {  	[dreg:$0x4] =	wrdreg $0xC0  }
0xab: {  	_ =	task [dreg:s6], $0x5FFFF  }
0xac: {  	[dreg:$0x1] =	wrdreg $0xFFFFFFFF  }
0xad: {  	[dreg:$0x0] =	wrdreg $0x60  }
0xae: {  	[dreg:$0x2] =	wrdreg s24  }
0xaf: {  	[dreg:$0x3] =	wrdreg $0x0  }
0xb0: {  	[dreg:$0x4] =	wrdreg $0xA  }
0xb1: {  	_ =	task.clear_ibuf [dreg:s6], $0x5FFFF;
	_ =	strace $0x90000046  }
0xb2: {  	s29 =	simm.s32 $0xA;
	_ =	strace $0x80000048  }
0xb3: {  	_ =	swait.ge [sflag:s29], $0x1  }
0xb4: {  	[sflag:s29] =	ssyncadd.s32 $0xFFFFFFFF  }
0xb5: {  	_ =	strace $0x90000048  }
0xb6: {  	_ =	sfence  }
0xb7: {  	s30 =	sld [smem:$0x0];
	_ =	sdelay $0x2  }
0xb8: {  	s31 =	sshll.u32 s1, $0xD;
	s1 =	sshrl.u32 s1, $0x2  }
0xb9: {  	s3 =	sand.u32 $0x4000, s31;
	s1 =	sadd.s32 s1, s30  }
0xba: {  	s0 =	sor.u32 s3, s0;
	s1 =	sshll.u32 s1, $0x11  }
0xbb: {  	s0 =	sor.u32 s1, s0  }
0xbc: {  	s0 =	sadd.s32 $0x8F2B, s0  }
0xbd: {  	[sflag:s0] =	ssyncadd.remote.s32 $0x1  }
0xbe: {  	_ =	sfence.sel $0xFFFF  }
0xbf: {  	[dreg:$0x0] =	wrdreg $0xFFFFFFFF;
	(pc) =	sbr.abs _section_cstart, $3  }
0xc0: {  	[dreg:$0x1] =	wrdreg $0xFFFFFFFF  }
0xc1: {  	_ =	task.clear_ibuf [dreg:s6], $0x2FFFF;
	_ =	strace $0x9FFFFFFF  }
0xc2: {  	(tm) =	ssettm $0x7FFFFFFF  }
0xc3: {  	_ =	shalt  }
tec
execute0_lowered:
.L_overlay_start_1:
0x0: {  	(tag) =	ssettag $0x1  }
0x1: {  	s4 =	rddreg [dreg:$0x0];
	s1 =	stileid.u32  }
0x2: {  	s2 =	rddreg [dreg:$0x1];
	s6 =	smul.u32 $0x13C00, s1  }
0x3: {  	s5 =	srdreg.scid;
	s20 =	smul.u32 $0x4F000, s1  }
0x4: {  	s3 =	simm.s32 $0x0;
	s19 =	simm.s32 $0x17D00;
	s28 =	smul.u32 $0x1400, s1  }
0x5: {  	s11 =	sand.u32 $0x1, s5;
	[smem:$0x7FF] =	sst s3;
	s29 =	smul.u32 $0x14000, s1  }
0x6: {  	s12 =	sadd.s32 $0x4E3E00, s4;
	s14 =	sadd.s32 $0x1E00, s4;
	s5 =	smul.u32 $0x13C000, s11  }
0x7: {  	s25 =	sshll.u32 s1, $0x6;
	_ =	strace $0x80000047;
	s17 =	smul.u32 $0x14000, s11  }
0x8: {  	s8 =	sshll.u32 s11, $0x4;
	s21 =	ssub.s32 $0x2, s11;
	s18 =	smul.u32 $0x140000, s11  }
0x9: {  	s7 =	sshrl.u32 s6, $0x3;
	s22 =	sor.u32 s1, s8;
	s23 =	sshrl.u32 s21, $0x1  }
0xa: {  	s7 =	sadd.s32 s7, s4;
	s5 =	sadd.s32 s6, s5;
	s10 =	smul.u32 $0x1400, s22  }
0xb: {  	s6 =	sshrl.u32 s20, $0x2;
	s13 =	ssub.s32 s21, s23;
	s24 =	smul.u32 $0x14000, s22  }
0xc: {  	s20 =	simm.s32 $0x13C80;
	s21 =	simm.s32 $0x1;
	s22 =	simm.s32 $0x3  }
0xd: {  	s23 =	simm.s32 $0x80;
	s5 =	sshrl.u32 s5, $0x3;
	s15 =	sadd.s32 s6, s2  }
0xe: {  	s9 =	sadd.s32 s5, s4;
	s4 =	sadd.s32 $0x6E00, s7;
	s26 =	sshrl.u32 s10, $0x3  }
0xf: {  	s5 =	sor.u32 $0x1C05, s25;
	s6 =	sadd.s32 s12, s24;
	s16 =	sadd.s32 $0x1380, s10  }
0x10: {  	s15 =	sshrl.u32 s15, $0x3;
	s24 =	simm.s32 $0x2;
	s25 =	simm.s32 $0x4  }
0x11: {  	s7 =	sadd.s32 s14, s26;
	s8 =	sadd.s32 $0x2E600, s9;
	s9 =	smax.u32 s13, $0x1  }
0x12: {  	s10 =	sshll.u32 s16, $0x4;
	s16 =	sshrl.u32 s16, $0x3;
	s13 =	sadd.s32 s28, s17  }
0x13: {  	s26 =	simm.s32 $0x0;
	s10 =	sadd.s32 s12, s10;
	s11 =	sadd.s32 s14, s16  }
0x14: {  	s12 =	sadd.s32 s18, s12;
	s17 =	sor.u32 $0x100, s13;
	s13 =	sor.u32 $0x80, s13  }
0x15: {  	s16 =	simm.s32 $0x5;
	s18 =	simm.s32 $0x13C00;
	s12 =	sadd.s32 s29, s12  }
0x16: {  	s30 =	sshrl.u32 s17, $0x3;
	s31 =	sshrl.u32 s13, $0x3;
	s17 =	simm.s32 $0x13D00  }
0x17: {  	s12 =	sadd.s32 $0x1000, s12;
	s13 =	sadd.s32 s30, s14;
	s14 =	sadd.s32 s31, s14  }
.LBB2_1:
0x18: {  	[spmem:s15], [sflag:s5] =	dma.local [hbm:s4], $0x2780  }
0x19: {  	_ =	swait.ge [sflag:s16], $0x2780  }
0x1a: {  	[sflag:s16] =	ssyncset.done $0x0  }
0x1b: {  	[sflag:s16] =	ssyncadd.s32 $0xFFFFD880  }
0x1c: {  	[bflag:$0x0] =	sbarrier.arrive $0xFFFF  }
0x1d: {  	[tilespmem:s17], [sflag:$0x1] =	stream.linear.gather [hbm4b:s6+s3], $0x4000, $0x38;
	[tilespmem:$0x1BD00] =	vst v63  }
0x1e: {  	_ = 	snop  }
0x1f: {  	[tilespmem:s18], [sflag:$0x3] =	stream.linear.gather [hbm4b:s7+s3], $0x80, $0x38;
	[tilespmem:$0x1BD00] =	vst v63  }
0x20: {  	s28 =	sadd.s32 $0xFFFFF800, s12  }
0x21: {  	[tilespmem:s19], [sflag:$0x2] =	stream.linear.gather [hbm4b:s28+s3], $0x4000, $0x38;
	[tilespmem:$0x1BD00] =	vst v63  }
0x22: {  	s28 =	sadd.s32 $0x0, s14  }
0x23: {  	[tilespmem:s20], [sflag:$0x4] =	stream.linear.gather [hbm4b:s28+s3], $0x80, $0x38;
	[tilespmem:$0x1BD00] =	vst v63  }
0x24: {  	_ =	swait.ge [sflag:s21], $0x4000  }
0x25: {  	[sflag:s21] =	ssyncset.done $0x0  }
0x26: {  	[sflag:s21] =	ssyncadd.s32 $0xFFFFC000  }
0x27: {  	_ =	swait.ge [sflag:s22], $0x80  }
0x28: {  	[sflag:s22] =	ssyncset.done $0x0  }
0x29: {  	[sflag:s22] =	ssyncadd.s32 $0xFFFFFF80  }
0x2a: {  	[spmem:s2] =	stream.indirect.scatter.add.f32 [tilespmem:s17], [sflag:$0x5], $0x80, s18, s23, $0xb8;
	[tilespmem:$0x1BD00] =	vst v63  }
0x2b: {  	_ =	swait.ge [sflag:s16], $0x4000  }
0x2c: {  	[sflag:s16] =	ssyncset.done $0x0  }
0x2d: {  	[sflag:s16] =	ssyncadd.s32 $0xFFFFC000  }
0x2e: {  	[tilespmem:s17], [sflag:$0x1] =	stream.linear.gather [hbm4b:s12+s3], $0x4000, $0x38;
	[tilespmem:$0x1BD00] =	vst v63  }
0x2f: {  	s28 =	sadd.s32 $0x0, s13  }
0x30: {  	[tilespmem:s18], [sflag:$0x3] =	stream.linear.gather [hbm4b:s28+s3], $0x80, $0x38;
	[tilespmem:$0x1BD00] =	vst v63  }
0x31: {  	_ =	swait.ge [sflag:s24], $0x4000  }
0x32: {  	[sflag:s24] =	ssyncset.done $0x0  }
0x33: {  	[sflag:s24] =	ssyncadd.s32 $0xFFFFC000  }
0x34: {  	_ =	swait.ge [sflag:s25], $0x80  }
0x35: {  	[sflag:s25] =	ssyncset.done $0x0  }
0x36: {  	[sflag:s25] =	ssyncadd.s32 $0xFFFFFF80  }
0x37: {  	[spmem:s2] =	stream.indirect.scatter.add.f32 [tilespmem:s19], [sflag:$0x5], $0x80, s20, s23, $0xb8;
	[tilespmem:$0x1BD00] =	vst v63  }
0x38: {  	s30 =	simm.s32 $0x40;
	_ =	swait.ge [sflag:s16], $0x4000  }
0x39: {  	s29 =	sadd.s32 $0x1000, s12;
	s28 =	simm.s32 $0x20;
	[sflag:s16] =	ssyncset.done $0x0  }
.LBB2_2:
0x3a: {  	p0 =	sne.s32 s30, $0x240;
	s31 =	sadd.s32 $0xFFFFF800, s29;
	[sflag:s16] =	ssyncadd.s32 $0xFFFFC000  }
0x3b: {  	[tilespmem:s19], [sflag:$0x2] =	stream.linear.gather [hbm4b:s31+s3], $0x4000, $0x38;
	[tilespmem:$0x1BD00] =	vst v63  }
0x3c: {  	s0 =	smov.u32 s30;
	s30 =	sadd.s32 $0x20, s30;
	s31 =	sadd.s32 s28, s14  }
0x3d: {  	[tilespmem:s20], [sflag:$0x4] =	stream.linear.gather [hbm4b:s31+s3], $0x80, $0x38;
	[tilespmem:$0x1BD00] =	vst v63  }
0x3e: {  	_ =	swait.ge [sflag:s21], $0x4000  }
0x3f: {  	[sflag:s21] =	ssyncset.done $0x0  }
0x40: {  	[sflag:s21] =	ssyncadd.s32 $0xFFFFC000  }
0x41: {  	_ =	swait.ge [sflag:s22], $0x80  }
0x42: {  	[sflag:s22] =	ssyncset.done $0x0  }
0x43: {  	[sflag:s22] =	ssyncadd.s32 $0xFFFFFF80  }
0x44: {  	[spmem:s2] =	stream.indirect.scatter.add.f32 [tilespmem:s17], [sflag:$0x5], $0x80, s18, s23, $0xb8;
	[tilespmem:$0x1BD00] =	vst v63  }
0x45: {  	_ =	swait.ge [sflag:s16], $0x4000  }
0x46: {  	[sflag:s16] =	ssyncset.done $0x0  }
0x47: {  	[sflag:s16] =	ssyncadd.s32 $0xFFFFC000  }
0x48: {  	[tilespmem:s17], [sflag:$0x1] =	stream.linear.gather [hbm4b:s29+s3], $0x4000, $0x38;
	[tilespmem:$0x1BD00] =	vst v63  }
0x49: {  	s31 =	sadd.s32 s28, s13;
	s28 =	smov.u32 s0  }
0x4a: {  	[tilespmem:s18], [sflag:$0x3] =	stream.linear.gather [hbm4b:s31+s3], $0x80, $0x38;
	[tilespmem:$0x1BD00] =	vst v63  }
0x4b: {  	_ =	swait.ge [sflag:s24], $0x4000  }
0x4c: {  	[sflag:s24] =	ssyncset.done $0x0  }
0x4d: {  	[sflag:s24] =	ssyncadd.s32 $0xFFFFC000  }
0x4e: {  	_ =	swait.ge [sflag:s25], $0x80  }
.Ltmp0:
0x4f: {  	[sflag:s25] =	ssyncset.done $0x0;
	(pc) =	sbr.rel @p0 .LBB2_2-.Ltmp0, $4  }
0x50: {  	[sflag:s25] =	ssyncadd.s32 $0xFFFFFF80  }
0x51: {  	[spmem:s2] =	stream.indirect.scatter.add.f32 [tilespmem:s19], [sflag:$0x5], $0x80, s20, s23, $0xb8;
	[tilespmem:$0x1BD00] =	vst v63  }
0x52: {  	_ =	swait.ge [sflag:s16], $0x4000  }
0x53: {  	s29 =	sadd.s32 $0x1000, s29;
	[sflag:s16] =	ssyncset.done $0x0  }
0x54: {  	s0 =	sadd.s32 $0xFFFFF800, s29;
	[sflag:s16] =	ssyncadd.s32 $0xFFFFC000  }
0x55: {  	[tilespmem:s19], [sflag:$0x2] =	stream.linear.gather [hbm4b:s0+s3], $0x4000, $0x38;
	[tilespmem:$0x1BD00] =	vst v63  }
0x56: {  	s30 =	sadd.s32 s28, s14  }
0x57: {  	[tilespmem:s20], [sflag:$0x4] =	stream.linear.gather [hbm4b:s30+s3], $0x80, $0x38;
	[tilespmem:$0x1BD00] =	vst v63  }
0x58: {  	_ =	swait.ge [sflag:s21], $0x4000  }
0x59: {  	[sflag:s21] =	ssyncset.done $0x0  }
0x5a: {  	[sflag:s21] =	ssyncadd.s32 $0xFFFFC000  }
0x5b: {  	_ =	swait.ge [sflag:s22], $0x80  }
0x5c: {  	[sflag:s22] =	ssyncset.done $0x0  }
0x5d: {  	[sflag:s22] =	ssyncadd.s32 $0xFFFFFF80  }
0x5e: {  	[spmem:s2] =	stream.indirect.scatter.add.f32 [tilespmem:s17], [sflag:$0x5], $0x80, s18, s23, $0xb8;
	[tilespmem:$0x1BD00] =	vst v63  }
0x5f: {  	_ =	swait.ge [sflag:s16], $0x4000  }
0x60: {  	[sflag:s16] =	ssyncset.done $0x0  }
0x61: {  	[sflag:s16] =	ssyncadd.s32 $0xFFFFC000  }
0x62: {  	[tilespmem:s17], [sflag:$0x1] =	stream.linear.gather [hbm4b:s29+s3], $0x4000, $0x38;
	[tilespmem:$0x1BD00] =	vst v63  }
0x63: {  	s31 =	sadd.s32 s28, s13  }
0x64: {  	[tilespmem:s18], [sflag:$0x3] =	stream.linear.gather [hbm4b:s31+s3], $0x80, $0x38;
	[tilespmem:$0x1BD00] =	vst v63  }
0x65: {  	_ =	swait.ge [sflag:s24], $0x4000  }
0x66: {  	[sflag:s24] =	ssyncset.done $0x0  }
0x67: {  	[sflag:s24] =	ssyncadd.s32 $0xFFFFC000  }
0x68: {  	_ =	swait.ge [sflag:s25], $0x80  }
0x69: {  	[sflag:s25] =	ssyncset.done $0x0  }
0x6a: {  	[sflag:s25] =	ssyncadd.s32 $0xFFFFFF80  }
0x6b: {  	[spmem:s2] =	stream.indirect.scatter.add.f32 [tilespmem:s19], [sflag:$0x5], $0x80, s20, s23, $0xb8;
	[tilespmem:$0x1BD00] =	vst v63  }
0x6c: {  	_ =	swait.ge [sflag:s16], $0x4000  }
0x6d: {  	[sflag:s16] =	ssyncset.done $0x0  }
0x6e: {  	[sflag:s16] =	ssyncadd.s32 $0xFFFFC000  }
0x6f: {  	[tilespmem:s19], [sflag:$0x2] =	stream.linear.gather [hbm4b:s10+s3], $0x4000, $0x38;
	[tilespmem:$0x1BD00] =	vst v63  }
0x70: {  	_ = 	snop  }
0x71: {  	[tilespmem:s20], [sflag:$0x4] =	stream.linear.gather [hbm4b:s11+s3], $0x80, $0x38;
	[tilespmem:$0x1BD00] =	vst v63  }
0x72: {  	_ =	swait.ge [sflag:s21], $0x4000  }
0x73: {  	[sflag:s21] =	ssyncset.done $0x0  }
0x74: {  	[sflag:s21] =	ssyncadd.s32 $0xFFFFC000  }
0x75: {  	_ =	swait.ge [sflag:s22], $0x80  }
0x76: {  	[sflag:s22] =	ssyncset.done $0x0  }
0x77: {  	[sflag:s22] =	ssyncadd.s32 $0xFFFFFF80  }
0x78: {  	[spmem:s2] =	stream.indirect.scatter.add.f32 [tilespmem:s17], [sflag:$0x5], $0x80, s18, s23, $0xb8;
	[tilespmem:$0x1BD00] =	vst v63  }
0x79: {  	_ =	swait.ge [sflag:s16], $0x4000  }
0x7a: {  	[sflag:s16] =	ssyncset.done $0x0  }
0x7b: {  	[sflag:s16] =	ssyncadd.s32 $0xFFFFC000  }
0x7c: {  	_ =	swait.ge [sflag:s24], $0x4000  }
0x7d: {  	[sflag:s24] =	ssyncset.done $0x0  }
0x7e: {  	[sflag:s24] =	ssyncadd.s32 $0xFFFFC000  }
0x7f: {  	_ =	swait.ge [sflag:s25], $0x80  }
0x80: {  	[sflag:s25] =	ssyncset.done $0x0  }
0x81: {  	[sflag:s25] =	ssyncadd.s32 $0xFFFFFF80  }
0x82: {  	[spmem:s2] =	stream.indirect.scatter.add.f32 [tilespmem:s19], [sflag:$0x5], $0x80, s20, s23, $0xb8;
	[tilespmem:$0x1BD00] =	vst v63  }
0x83: {  	_ =	swait.ge [sflag:s16], $0x4000  }
0x84: {  	s26 =	sadd.s32 $0x1, s26;
	[sflag:s16] =	ssyncset.done $0x0  }
0x85: {  	p0 =	sne.s32 s26, s9;
	[sflag:s16] =	ssyncadd.s32 $0xFFFFC000  }
.Ltmp1:
0x86: {  	[bflag:$0x0] =	sbarrier.arrive $0xFFFF;
	(pc) =	sbr.rel @p0 .LBB2_1-.Ltmp1, $4  }
0x87: {  	[hbm:s8], [sflag:s5] =	dma.local [spmem:s15], $0x2780  }
0x88: {  	_ =	swait.ge [sflag:s16], $0x2780  }
0x89: {  	[sflag:s16] =	ssyncset.done $0x0  }
0x8a: {  	[sflag:s16] =	ssyncadd.s32 $0xFFFFD880  }
0x8b: {  	_ =	sfence.sel $0x180000  }
0x8c: {  	[bflag:$0x0] =	sbarrier.arrive $0xFFFF  }
0x8d: {  	_ =	strace $0x90000047  }
0x8e: {  	[bflag:$0x2] =	sbarrier.arrive $0xFFFF  }
0x8f: {  	p0 =	sne.s32 s1, $0x0;
	s0 =	rddreg [dreg:$0x2]  }
0x90: {  	s0 =	sadd.s32 @!p0 $0x100000, s0  }
0x91: {  	[sflag:s0] =	ssyncadd.tile.s32 @!p0 $0x1;
	_ =	shalt  }
.Lfunc_end2:
_tile_overlayer_lowered:
.L_overlay_start_2:
0x92: {  	(tag) =	ssettag $0x2  }
0x93: {  	s0 =	rddreg [dreg:$0x0];
	s2 =	stileid.u32  }
0x94: {  	s1 =	rddreg [dreg:$0x1];
	p0 =	sne.s32 s2, $0x0  }
0x95: {  	s3 =	rddreg [dreg:$0x2];
	[bflag:$0x3] =	sbarrier.arrive $0xFFFF;
	s2 =	simm.s32 @!p0 $0x1C05  }
0x96: {  	[timem:s3], [sflag:s2] =	dma.local @!p0 [hbm:s0], s1  }
0x97: {  	s0 =	simm.s32 @!p0 $0x5  }
0x98: {  	_ =	swait.ge @!p0 [sflag:s0], s1  }
0x99: {  	s1 =	ssub.s32 @!p0 $0x0, s1;
	[sflag:s0] =	ssyncset.done @!p0 $0x0  }
0x9a: {  	[sflag:s0] =	ssyncadd.s32 @!p0 s1  }
0x9b: {  	[bflag:$0x3] =	sbarrier.arrive $0xFFFF  }
0x9c: {  	_ =	shalt  }

</sc_bundles>
